<compile_context>
chip_gen: v7x
topology: tpu7x:2x2x1
jax: 0.10.2.dev20260603
libtpu: 0.0.44.dev20260713+nightly
codegen_flags: <defaults>
</compile_context>

<pallas_src>
import functools

import jax
import jax.numpy as jnp
from jax import lax
from jax.experimental import pallas as pl
from jax.experimental.pallas import tpu as pltpu
from jax.experimental.pallas import tpu_sc as plsc

TOPK = 30
NSLICE = 16
NCAND = 5
NEG_INF = float("-inf")


def _oddeven_merge(lo, n, r):
    step = r * 2
    if step < n:
        yield from _oddeven_merge(lo, n, step)
        yield from _oddeven_merge(lo + r, n, step)
        for i in range(lo + r, lo + n - r, step):
            yield (i, i + r)
    else:
        yield (lo, lo + r)


def _oddeven_merge_sort(lo, hi):
    if hi - lo >= 1:
        mid = lo + (hi - lo) // 2
        yield from _oddeven_merge_sort(lo, mid)
        yield from _oddeven_merge_sort(mid + 1, hi)
        yield from _oddeven_merge(lo, hi - lo + 1, 1)


_SORT_PAIRS = list(_oddeven_merge_sort(0, NSLICE - 1))


def _extract_kth_max(arr, m, n_pulls):
    def step(_, carry):
        cur, t = carry
        mi = jnp.max(cur, axis=1, keepdims=True)
        cur = jnp.where(cur >= mi, NEG_INF, cur)
        return cur, mi

    _, t = lax.fori_loop(0, n_pulls, step, (arr, m))
    return t




def _scores_kernel(q_ref, k_ref, s_ref):
    s_ref[0] = jax.lax.dot_general(
        q_ref[0], k_ref[0], (((1,), (1,)), ((), ())),
        preferred_element_type=jnp.float32,
    )




def _sc_rowmax(scores2d):
    R, S = scores2d.shape
    info = plsc.get_sparse_core_info()
    nw = info.num_cores * info.num_subcores
    rpw = R // nw
    nch = S // info.num_lanes
    mesh = plsc.VectorSubcoreMesh(core_axis_name="c", subcore_axis_name="s")

    @functools.partial(
        pl.kernel,
        mesh=mesh,
        out_type=jax.ShapeDtypeStruct((R,), jnp.float32),
        scratch_types=[
            pltpu.VMEM((2, S), jnp.float32),
            pltpu.VMEM((rpw,), jnp.float32),
            pltpu.SemaphoreType.DMA,
            pltpu.SemaphoreType.DMA,
        ],
    )
    def sc_k(s_hbm, out_hbm, rowbuf, outbuf, sem0, sem1):
        wid = lax.axis_index("s") * info.num_cores + lax.axis_index("c")
        base = wid * rpw

        lanes = lax.broadcasted_iota(jnp.int32, (16,), 0)

        def xlane_max(r):
            for sh in (1, 2, 4, 8):
                r = jnp.maximum(r, r[lanes ^ sh])
            return r

        def row_max(b, i, acc):
            def ch(j, r):
                return jnp.maximum(r, rowbuf.at[b][pl.ds(j * 16, 16)][...])

            r = lax.fori_loop(
                0, nch, ch, jnp.full((16,), NEG_INF, jnp.float32), unroll=8
            )
            return jnp.where(lanes == (i % 16), xlane_max(r), acc)

        pltpu.make_async_copy(s_hbm.at[base], rowbuf.at[0], sem0).start()

        def body(g, acc):
            i0 = 2 * g
            pltpu.make_async_copy(
                s_hbm.at[base + i0 + 1], rowbuf.at[1], sem1
            ).start()
            pltpu.make_async_copy(s_hbm.at[base + i0], rowbuf.at[0], sem0).wait()
            acc = row_max(0, i0, acc)

            @pl.when(i0 + 2 < rpw)
            def _():
                pltpu.make_async_copy(
                    s_hbm.at[base + i0 + 2], rowbuf.at[0], sem0
                ).start()

            pltpu.make_async_copy(
                s_hbm.at[base + i0 + 1], rowbuf.at[1], sem1
            ).wait()
            acc = row_max(1, i0 + 1, acc)

            @pl.when(g % 8 == 7)
            def _():
                outbuf[pl.ds((g // 8) * 16, 16)] = acc

            return acc

        lax.fori_loop(0, rpw // 2, body, jnp.zeros((16,), jnp.float32))
        pltpu.sync_copy(outbuf, out_hbm.at[pl.ds(base, rpw)])

    return sc_k(scores2d)




def _attn_block_kernel(s_ref, m_ref, v_ref, attn_ref, ctx_ref, t_ref):
    s = s_ref[0]
    S = s.shape[1]
    w = S // NSLICE
    m = m_ref[0, 0].reshape(-1, 1)

    sl = [s[:, i * w : (i + 1) * w] for i in range(NSLICE)]
    for i, j in _SORT_PAIRS:
        hi = jnp.maximum(sl[i], sl[j])
        lo = jnp.minimum(sl[i], sl[j])
        sl[i], sl[j] = hi, lo

    cand = jnp.concatenate(sl[:NCAND], axis=1)
    t_cand = _extract_kth_max(cand, m, TOPK)

    c_gt = jnp.sum((s > t_cand).astype(jnp.float32), axis=1, keepdims=True)
    c_ge = jnp.sum((s >= t_cand).astype(jnp.float32), axis=1, keepdims=True)
    ok = jnp.logical_and(c_gt < TOPK, c_ge >= TOPK)
    t_ref[...] = t_cand

    @pl.when(jnp.logical_not(jnp.all(ok)))
    def _fallback():
        t_ref[...] = _extract_kth_max(s, m, TOPK)

    t = t_ref[...]
    wexp = jnp.where(s >= t, jnp.exp(s - m), 0.0)
    z = jnp.sum(wexp, axis=1, keepdims=True)
    attn = wexp / z
    attn_ref[0] = attn
    ctx_ref[0] = jax.lax.dot_general(
        attn, v_ref[0], (((1,), (0,)), ((), ())), preferred_element_type=jnp.float32
    )


@jax.jit
def _run(q, k, v):
    bh, S, d = q.shape
    blk = min(256, S)
    grid = (bh, S // blk)

    scores = pl.pallas_call(
        _scores_kernel,
        grid=grid,
        in_specs=[
            pl.BlockSpec((1, blk, d), lambda h, i: (h, i, 0)),
            pl.BlockSpec((1, S, d), lambda h, i: (h, 0, 0)),
        ],
        out_specs=pl.BlockSpec((1, blk, S), lambda h, i: (h, i, 0)),
        out_shape=jax.ShapeDtypeStruct((bh, S, S), jnp.float32),
        compiler_params=pltpu.CompilerParams(
            dimension_semantics=("parallel", "arbitrary"),
        ),
    )(q, k)

    m = _sc_rowmax(scores.reshape(bh * S, S))
    m4 = m.reshape(bh, S // blk, 1, blk)

    attn, ctx = pl.pallas_call(
        _attn_block_kernel,
        grid=grid,
        in_specs=[
            pl.BlockSpec((1, blk, S), lambda h, i: (h, i, 0)),
            pl.BlockSpec((1, 1, 1, blk), lambda h, i: (h, i, 0, 0)),
            pl.BlockSpec((1, S, d), lambda h, i: (h, 0, 0)),
        ],
        out_specs=[
            pl.BlockSpec((1, blk, S), lambda h, i: (h, i, 0)),
            pl.BlockSpec((1, blk, d), lambda h, i: (h, i, 0)),
        ],
        out_shape=[
            jax.ShapeDtypeStruct((bh, S, S), jnp.float32),
            jax.ShapeDtypeStruct((bh, S, d), jnp.float32),
        ],
        scratch_shapes=[pltpu.VMEM((blk, 1), jnp.float32)],
        compiler_params=pltpu.CompilerParams(
            dimension_semantics=("parallel", "arbitrary"),
        ),
    )(scores, m4, v)
    return ctx, attn


def kernel(q, k, v, B, num_heads):
    return _run(q, k, v)

# --- scband reference (transcript-rebuilt; emitter-appended) ---
"""Pipeline reference for scband-dot-attention-40742059769887 (READ-ONLY COPY).

The authoritative reference and input builder live on the scoring server;
editing this copy changes nothing except your own understanding.
"""

import jax, jax.numpy as jnp
import numpy as np


def setup_inputs(seed: int = 0) -> dict:
    key = jax.random.key(seed)
    kq, kk, kv = jax.random.split(key, 3)
    bh, S, d = 12, 2048, 64
    q = jax.random.normal(kq, (bh, S, d), dtype=jnp.float32)
    k = jax.random.normal(kk, (bh, S, d), dtype=jnp.float32)
    v = jax.random.normal(kv, (bh, S, d), dtype=jnp.float32)
    return {"q": q, "k": k, "v": v, "B": 2048, "num_heads": 12}


def reference(q, k, v, B, num_heads):
    topk = 30
    S = q.shape[1]
    # attention = torch.bmm(q, k.transpose(1, 2))
    attention = jnp.einsum('bik,bjk->bij', q, k)
    attention = attention + (jnp.asarray(B) - S).astype(attention.dtype) * 0
    # scale is None and attn_mask is None in this configuration -> skipped
    # index = torch.topk(attention, k=topk, dim=-1, largest=True)[1]
    idx = jax.lax.top_k(attention, topk)[1]
    bh = attention.shape[0]
    # mask = torch.zeros(attention.size(0), B, B); mask.scatter_(-1, index, 1.0)
    bi = jnp.arange(bh)[:, None, None]
    ri = jnp.arange(S)[None, :, None]
    mask = jnp.zeros((bh, S, S), dtype=attention.dtype).at[bi, ri, idx].set(1.0)
    # attention = torch.where(mask > 0, attention, -inf)
    attention = jnp.where(mask > 0, attention, jnp.full_like(attention, -jnp.inf))
    # softmax along dim=2 (last dim)
    attention = jax.nn.softmax(attention, axis=2)
    # dropout p=0.0 -> identity
    # context = torch.bmm(attention, v)
    context = jnp.einsum('bij,bjd->bid', attention, v)
    return (context, attention)

if __name__ == "__main__":
    import jax
    _d = setup_inputs()
    print(jax.jit(kernel)(*tuple(_d.values())))

</pallas_src>

<mosaic_0001>
#map = affine_map<(d0, d1) -> (0, 0)>
#map1 = affine_map<(d0, d1) -> (0)>
module attributes {stable_mosaic.version = 14 : i64} {
  func.func @sc_k(%arg0: i32, %arg1: i32, %arg2: memref<24576x2048xf32, #tpu.memory_space<hbm>>, %arg3: memref<24576xf32, #tpu.memory_space<hbm>>, %arg4: memref<2x2048xf32, #tpu.memory_space<vmem>>, %arg5: memref<768xf32, #tpu.memory_space<vmem>>, %arg6: memref<!tpu.dma_semaphore, #tpu.memory_space<semaphore_mem>>, %arg7: memref<!tpu.dma_semaphore, #tpu.memory_space<semaphore_mem>>) attributes {dimension_semantics = [#tpu.dimension_semantics<core_parallel>, #tpu.dimension_semantics<subcore_parallel>], iteration_bounds = array<i64: 2, 16>, scalar_prefetch = 0 : i64, scratch_operands = 4 : i64, tpu.core_type = #tpu.core_type<sc_vector_subcore>, window_params = [{transform_indices = #map}, {transform_indices = #map1}]} {
    %mul3A = arith.constant 2 : i32
    %mul3A_0 = arith.muli %arg1, %mul3A : i32
    %add3A = arith.addi %mul3A_0, %arg0 : i32
    %mul3A_1 = arith.constant 768 : i32
    %mul3A_2 = arith.muli %add3A, %mul3A_1 : i32
    %iota3A = tpu.iota {dimensions = array<i32: 0>} : vector<16xi32>
    %dma_start3A = arith.constant 0 : i32
    %dma_start3A_3 = arith.constant 0 : i32
    %dma_start3A_4 = tpu.memref_slice %arg4[%dma_start3A, %dma_start3A_3] : memref<2x2048xf32, #tpu.memory_space<vmem>> -> memref<1x2048xf32, #tpu.memory_space<vmem>>
    %dma_start3A_5 = tpu.memref_squeeze %dma_start3A_4 : memref<1x2048xf32, #tpu.memory_space<vmem>> -> memref<2048xf32, #tpu.memory_space<vmem>>
    %dma_start3A_6 = arith.constant 0 : i32
    %dma_start3A_7 = tpu.memref_slice %arg2[%mul3A_2, %dma_start3A_6] : memref<24576x2048xf32, #tpu.memory_space<hbm>> -> memref<1x2048xf32, #tpu.memory_space<hbm>>
    %dma_start3A_8 = tpu.memref_squeeze %dma_start3A_7 : memref<1x2048xf32, #tpu.memory_space<hbm>> -> memref<2048xf32, #tpu.memory_space<hbm>>
    %dma_start3A_9 = arith.constant 0 : i32
    %dma_start3A_10 = tpu.memref_slice %arg4[%dma_start3A, %dma_start3A_9] : memref<2x2048xf32, #tpu.memory_space<vmem>> -> memref<1x2048xf32, #tpu.memory_space<vmem>>
    %dma_start3A_11 = tpu.memref_squeeze %dma_start3A_10 : memref<1x2048xf32, #tpu.memory_space<vmem>> -> memref<2048xf32, #tpu.memory_space<vmem>>
    %dma_start3A_12 = arith.constant 0 : i32
    %dma_start3A_13 = tpu.memref_slice %arg2[%mul3A_2, %dma_start3A_12] : memref<24576x2048xf32, #tpu.memory_space<hbm>> -> memref<1x2048xf32, #tpu.memory_space<hbm>>
    %dma_start3A_14 = tpu.memref_squeeze %dma_start3A_13 : memref<1x2048xf32, #tpu.memory_space<hbm>> -> memref<2048xf32, #tpu.memory_space<hbm>>
    tpu.enqueue_dma source(%dma_start3A_14 : memref<2048xf32, #tpu.memory_space<hbm>>) target(%dma_start3A_11 : memref<2048xf32, #tpu.memory_space<vmem>>) target_semaphore(%arg6 : memref<!tpu.dma_semaphore, #tpu.memory_space<semaphore_mem>>)
    %broadcast_in_dim3A = arith.constant 0.000000e+00 : f32
    %broadcast_in_dim3A_15 = vector.broadcast %broadcast_in_dim3A : f32 to vector<16xf32>
    %scan3A = arith.constant 0 : i32
    %scan3A_16 = arith.constant 384 : i32
    %scan3A_17 = arith.addi %scan3A, %scan3A_16 : i32
    %scan3A_18 = arith.constant 1 : i32
    %scan3A_19 = scf.for %scan3A_21 = %scan3A to %scan3A_17 step %scan3A_18 iter_args(%scan3A_22 = %broadcast_in_dim3A_15) -> (vector<16xf32>)  : i32 {
      %mul3A_23 = arith.constant 2 : i32
      %mul3A_24 = arith.muli %mul3A_23, %scan3A_21 : i32
      %add3A_25 = arith.addi %mul3A_2, %mul3A_24 : i32
      %add3A_26 = arith.constant 1 : i32
      %add3A_27 = arith.addi %add3A_25, %add3A_26 : i32
      %dma_start3A_28 = arith.constant 1 : i32
      %dma_start3A_29 = arith.constant 0 : i32
      %dma_start3A_30 = tpu.memref_slice %arg4[%dma_start3A_28, %dma_start3A_29] : memref<2x2048xf32, #tpu.memory_space<vmem>> -> memref<1x2048xf32, #tpu.memory_space<vmem>>
      %dma_start3A_31 = tpu.memref_squeeze %dma_start3A_30 : memref<1x2048xf32, #tpu.memory_space<vmem>> -> memref<2048xf32, #tpu.memory_space<vmem>>
      %dma_start3A_32 = arith.constant 0 : i32
      %dma_start3A_33 = tpu.memref_slice %arg2[%add3A_27, %dma_start3A_32] : memref<24576x2048xf32, #tpu.memory_space<hbm>> -> memref<1x2048xf32, #tpu.memory_space<hbm>>
      %dma_start3A_34 = tpu.memref_squeeze %dma_start3A_33 : memref<1x2048xf32, #tpu.memory_space<hbm>> -> memref<2048xf32, #tpu.memory_space<hbm>>
      %dma_start3A_35 = arith.constant 0 : i32
      %dma_start3A_36 = tpu.memref_slice %arg4[%dma_start3A_28, %dma_start3A_35] : memref<2x2048xf32, #tpu.memory_space<vmem>> -> memref<1x2048xf32, #tpu.memory_space<vmem>>
      %dma_start3A_37 = tpu.memref_squeeze %dma_start3A_36 : memref<1x2048xf32, #tpu.memory_space<vmem>> -> memref<2048xf32, #tpu.memory_space<vmem>>
      %dma_start3A_38 = arith.constant 0 : i32
      %dma_start3A_39 = tpu.memref_slice %arg2[%add3A_27, %dma_start3A_38] : memref<24576x2048xf32, #tpu.memory_space<hbm>> -> memref<1x2048xf32, #tpu.memory_space<hbm>>
      %dma_start3A_40 = tpu.memref_squeeze %dma_start3A_39 : memref<1x2048xf32, #tpu.memory_space<hbm>> -> memref<2048xf32, #tpu.memory_space<hbm>>
      tpu.enqueue_dma source(%dma_start3A_40 : memref<2048xf32, #tpu.memory_space<hbm>>) target(%dma_start3A_37 : memref<2048xf32, #tpu.memory_space<vmem>>) target_semaphore(%arg7 : memref<!tpu.dma_semaphore, #tpu.memory_space<semaphore_mem>>)
      %add3A_41 = arith.addi %mul3A_2, %mul3A_24 : i32
      %dma_wait3A = arith.constant 0 : i32
      %dma_wait3A_42 = arith.constant 0 : i32
      %dma_wait3A_43 = tpu.memref_slice %arg4[%dma_wait3A, %dma_wait3A_42] : memref<2x2048xf32, #tpu.memory_space<vmem>> -> memref<1x2048xf32, #tpu.memory_space<vmem>>
      %dma_wait3A_44 = tpu.memref_squeeze %dma_wait3A_43 : memref<1x2048xf32, #tpu.memory_space<vmem>> -> memref<2048xf32, #tpu.memory_space<vmem>>
      %dma_wait3A_45 = arith.constant 0 : i32
      %dma_wait3A_46 = tpu.memref_slice %arg2[%add3A_41, %dma_wait3A_45] : memref<24576x2048xf32, #tpu.memory_space<hbm>> -> memref<1x2048xf32, #tpu.memory_space<hbm>>
      %dma_wait3A_47 = tpu.memref_squeeze %dma_wait3A_46 : memref<1x2048xf32, #tpu.memory_space<hbm>> -> memref<2048xf32, #tpu.memory_space<hbm>>
      %dma_wait3A_48 = arith.constant 0 : i32
      %dma_wait3A_49 = tpu.memref_slice %arg4[%dma_wait3A, %dma_wait3A_48] : memref<2x2048xf32, #tpu.memory_space<vmem>> -> memref<1x2048xf32, #tpu.memory_space<vmem>>
      %dma_wait3A_50 = tpu.memref_squeeze %dma_wait3A_49 : memref<1x2048xf32, #tpu.memory_space<vmem>> -> memref<2048xf32, #tpu.memory_space<vmem>>
      %dma_wait3A_51 = arith.constant 0 : i32
      %dma_wait3A_52 = tpu.memref_slice %arg2[%add3A_41, %dma_wait3A_51] : memref<24576x2048xf32, #tpu.memory_space<hbm>> -> memref<1x2048xf32, #tpu.memory_space<hbm>>
      %dma_wait3A_53 = tpu.memref_squeeze %dma_wait3A_52 : memref<1x2048xf32, #tpu.memory_space<hbm>> -> memref<2048xf32, #tpu.memory_space<hbm>>
      tpu.wait_dma2 semaphore(%arg6 : memref<!tpu.dma_semaphore, #tpu.memory_space<semaphore_mem>>) src(%dma_wait3A_53 : memref<2048xf32, #tpu.memory_space<hbm>>) dst(%dma_wait3A_50 : memref<2048xf32, #tpu.memory_space<vmem>>)
      %broadcast_in_dim3A_54 = arith.constant 0xFF800000 : f32
      %broadcast_in_dim3A_55 = vector.broadcast %broadcast_in_dim3A_54 : f32 to vector<16xf32>
      %scan3A_56 = arith.constant 0 : i32
      %scan3A_57 = arith.constant 128 : i32
      %scan3A_58 = arith.addi %scan3A_56, %scan3A_57 : i32
      %scan3A_59 = arith.constant 8 : i32
      %scan3A_60 = scf.for %scan3A_254 = %scan3A_56 to %scan3A_58 step %scan3A_59 iter_args(%scan3A_255 = %broadcast_in_dim3A_55) -> (vector<16xf32>)  : i32 {
        %mul3A_256 = arith.constant 16 : i32
        %mul3A_257 = arith.muli %scan3A_254, %mul3A_256 : i32
        %get3A = arith.constant 0 : i32
        %get3A_258 = arith.constant 0 : i32
        %get3A_259 = tpu.memref_slice %arg4[%get3A, %get3A_258] : memref<2x2048xf32, #tpu.memory_space<vmem>> -> memref<1x2048xf32, #tpu.memory_space<vmem>>
        %get3A_260 = tpu.memref_squeeze %get3A_259 : memref<1x2048xf32, #tpu.memory_space<vmem>> -> memref<2048xf32, #tpu.memory_space<vmem>>
        %get3A_261 = arith.index_cast %mul3A_257 : i32 to index
        %get3A_262 = tpu.vector_load %get3A_260[%get3A_261] {strides = array<i32>} : memref<2048xf32, #tpu.memory_space<vmem>>, vector<16xf32>,
        %get3A_263 = vector.shape_cast %get3A_262 : vector<16xf32> to vector<16xf32>
        %max3A_264 = arith.maximumf %scan3A_255, %get3A_263 : vector<16xf32>
        %scan3A_265 = arith.constant 1 : i32
        %scan3A_266 = arith.addi %scan3A_254, %scan3A_265 : i32
        %mul3A_267 = arith.constant 16 : i32
        %mul3A_268 = arith.muli %scan3A_266, %mul3A_267 : i32
        %get3A_269 = arith.constant 0 : i32
        %get3A_270 = arith.constant 0 : i32
        %get3A_271 = tpu.memref_slice %arg4[%get3A_269, %get3A_270] : memref<2x2048xf32, #tpu.memory_space<vmem>> -> memref<1x2048xf32, #tpu.memory_space<vmem>>
        %get3A_272 = tpu.memref_squeeze %get3A_271 : memref<1x2048xf32, #tpu.memory_space<vmem>> -> memref<2048xf32, #tpu.memory_space<vmem>>
        %get3A_273 = arith.index_cast %mul3A_268 : i32 to index
        %get3A_274 = tpu.vector_load %get3A_272[%get3A_273] {strides = array<i32>} : memref<2048xf32, #tpu.memory_space<vmem>>, vector<16xf32>,
        %get3A_275 = vector.shape_cast %get3A_274 : vector<16xf32> to vector<16xf32>
        %max3A_276 = arith.maximumf %max3A_264, %get3A_275 : vector<16xf32>
        %scan3A_277 = arith.constant 2 : i32
        %scan3A_278 = arith.addi %scan3A_254, %scan3A_277 : i32
        %mul3A_279 = arith.constant 16 : i32
        %mul3A_280 = arith.muli %scan3A_278, %mul3A_279 : i32
        %get3A_281 = arith.constant 0 : i32
        %get3A_282 = arith.constant 0 : i32
        %get3A_283 = tpu.memref_slice %arg4[%get3A_281, %get3A_282] : memref<2x2048xf32, #tpu.memory_space<vmem>> -> memref<1x2048xf32, #tpu.memory_space<vmem>>
        %get3A_284 = tpu.memref_squeeze %get3A_283 : memref<1x2048xf32, #tpu.memory_space<vmem>> -> memref<2048xf32, #tpu.memory_space<vmem>>
        %get3A_285 = arith.index_cast %mul3A_280 : i32 to index
        %get3A_286 = tpu.vector_load %get3A_284[%get3A_285] {strides = array<i32>} : memref<2048xf32, #tpu.memory_space<vmem>>, vector<16xf32>,
        %get3A_287 = vector.shape_cast %get3A_286 : vector<16xf32> to vector<16xf32>
        %max3A_288 = arith.maximumf %max3A_276, %get3A_287 : vector<16xf32>
        %scan3A_289 = arith.constant 3 : i32
        %scan3A_290 = arith.addi %scan3A_254, %scan3A_289 : i32
        %mul3A_291 = arith.constant 16 : i32
        %mul3A_292 = arith.muli %scan3A_290, %mul3A_291 : i32
        %get3A_293 = arith.constant 0 : i32
        %get3A_294 = arith.constant 0 : i32
        %get3A_295 = tpu.memref_slice %arg4[%get3A_293, %get3A_294] : memref<2x2048xf32, #tpu.memory_space<vmem>> -> memref<1x2048xf32, #tpu.memory_space<vmem>>
        %get3A_296 = tpu.memref_squeeze %get3A_295 : memref<1x2048xf32, #tpu.memory_space<vmem>> -> memref<2048xf32, #tpu.memory_space<vmem>>
        %get3A_297 = arith.index_cast %mul3A_292 : i32 to index
        %get3A_298 = tpu.vector_load %get3A_296[%get3A_297] {strides = array<i32>} : memref<2048xf32, #tpu.memory_space<vmem>>, vector<16xf32>,
        %get3A_299 = vector.shape_cast %get3A_298 : vector<16xf32> to vector<16xf32>
        %max3A_300 = arith.maximumf %max3A_288, %get3A_299 : vector<16xf32>
        %scan3A_301 = arith.constant 4 : i32
        %scan3A_302 = arith.addi %scan3A_254, %scan3A_301 : i32
        %mul3A_303 = arith.constant 16 : i32
        %mul3A_304 = arith.muli %scan3A_302, %mul3A_303 : i32
        %get3A_305 = arith.constant 0 : i32
        %get3A_306 = arith.constant 0 : i32
        %get3A_307 = tpu.memref_slice %arg4[%get3A_305, %get3A_306] : memref<2x2048xf32, #tpu.memory_space<vmem>> -> memref<1x2048xf32, #tpu.memory_space<vmem>>
        %get3A_308 = tpu.memref_squeeze %get3A_307 : memref<1x2048xf32, #tpu.memory_space<vmem>> -> memref<2048xf32, #tpu.memory_space<vmem>>
        %get3A_309 = arith.index_cast %mul3A_304 : i32 to index
        %get3A_310 = tpu.vector_load %get3A_308[%get3A_309] {strides = array<i32>} : memref<2048xf32, #tpu.memory_space<vmem>>, vector<16xf32>,
        %get3A_311 = vector.shape_cast %get3A_310 : vector<16xf32> to vector<16xf32>
        %max3A_312 = arith.maximumf %max3A_300, %get3A_311 : vector<16xf32>
        %scan3A_313 = arith.constant 5 : i32
        %scan3A_314 = arith.addi %scan3A_254, %scan3A_313 : i32
        %mul3A_315 = arith.constant 16 : i32
        %mul3A_316 = arith.muli %scan3A_314, %mul3A_315 : i32
        %get3A_317 = arith.constant 0 : i32
        %get3A_318 = arith.constant 0 : i32
        %get3A_319 = tpu.memref_slice %arg4[%get3A_317, %get3A_318] : memref<2x2048xf32, #tpu.memory_space<vmem>> -> memref<1x2048xf32, #tpu.memory_space<vmem>>
        %get3A_320 = tpu.memref_squeeze %get3A_319 : memref<1x2048xf32, #tpu.memory_space<vmem>> -> memref<2048xf32, #tpu.memory_space<vmem>>
        %get3A_321 = arith.index_cast %mul3A_316 : i32 to index
        %get3A_322 = tpu.vector_load %get3A_320[%get3A_321] {strides = array<i32>} : memref<2048xf32, #tpu.memory_space<vmem>>, vector<16xf32>,
        %get3A_323 = vector.shape_cast %get3A_322 : vector<16xf32> to vector<16xf32>
        %max3A_324 = arith.maximumf %max3A_312, %get3A_323 : vector<16xf32>
        %scan3A_325 = arith.constant 6 : i32
        %scan3A_326 = arith.addi %scan3A_254, %scan3A_325 : i32
        %mul3A_327 = arith.constant 16 : i32
        %mul3A_328 = arith.muli %scan3A_326, %mul3A_327 : i32
        %get3A_329 = arith.constant 0 : i32
        %get3A_330 = arith.constant 0 : i32
        %get3A_331 = tpu.memref_slice %arg4[%get3A_329, %get3A_330] : memref<2x2048xf32, #tpu.memory_space<vmem>> -> memref<1x2048xf32, #tpu.memory_space<vmem>>
        %get3A_332 = tpu.memref_squeeze %get3A_331 : memref<1x2048xf32, #tpu.memory_space<vmem>> -> memref<2048xf32, #tpu.memory_space<vmem>>
        %get3A_333 = arith.index_cast %mul3A_328 : i32 to index
        %get3A_334 = tpu.vector_load %get3A_332[%get3A_333] {strides = array<i32>} : memref<2048xf32, #tpu.memory_space<vmem>>, vector<16xf32>,
        %get3A_335 = vector.shape_cast %get3A_334 : vector<16xf32> to vector<16xf32>
        %max3A_336 = arith.maximumf %max3A_324, %get3A_335 : vector<16xf32>
        %scan3A_337 = arith.constant 7 : i32
        %scan3A_338 = arith.addi %scan3A_254, %scan3A_337 : i32
        %mul3A_339 = arith.constant 16 : i32
        %mul3A_340 = arith.muli %scan3A_338, %mul3A_339 : i32
        %get3A_341 = arith.constant 0 : i32
        %get3A_342 = arith.constant 0 : i32
        %get3A_343 = tpu.memref_slice %arg4[%get3A_341, %get3A_342] : memref<2x2048xf32, #tpu.memory_space<vmem>> -> memref<1x2048xf32, #tpu.memory_space<vmem>>
        %get3A_344 = tpu.memref_squeeze %get3A_343 : memref<1x2048xf32, #tpu.memory_space<vmem>> -> memref<2048xf32, #tpu.memory_space<vmem>>
        %get3A_345 = arith.index_cast %mul3A_340 : i32 to index
        %get3A_346 = tpu.vector_load %get3A_344[%get3A_345] {strides = array<i32>} : memref<2048xf32, #tpu.memory_space<vmem>>, vector<16xf32>,
        %get3A_347 = vector.shape_cast %get3A_346 : vector<16xf32> to vector<16xf32>
        %max3A_348 = arith.maximumf %max3A_336, %get3A_347 : vector<16xf32>
        scf.yield %max3A_348 : vector<16xf32>
      }
      %scan3A_61 = arith.constant 128 : i32
      %jit3A = arith.constant 16 : i32
      %eq3A = arith.constant 0 : i32
      %eq3A_62 = arith.cmpi eq, %jit3A, %eq3A : i32
      %jit3A_63 = arith.constant 1 : i32
      %select_n3A = arith.select %eq3A_62, %jit3A_63, %jit3A : i32
      %rem3A = arith.remsi %mul3A_24, %select_n3A : i32
      %ne3A = arith.constant 0 : i32
      %ne3A_64 = arith.cmpi ne, %rem3A, %ne3A : i32
      %lt3A = arith.constant 0 : i32
      %lt3A_65 = arith.cmpi slt, %rem3A, %lt3A : i32
      %lt3A_66 = arith.constant 0 : i32
      %lt3A_67 = arith.cmpi slt, %select_n3A, %lt3A_66 : i32
      %ne3A_68 = arith.xori %lt3A_65, %lt3A_67 : i1
      %and3A = arith.andi %ne3A_68, %ne3A_64 : i1
      %add3A_69 = arith.addi %rem3A, %select_n3A : i32
      %select_n3A_70 = arith.select %and3A, %add3A_69, %rem3A : i32
      %eq3A_71 = vector.broadcast %select_n3A_70 : i32 to vector<16xi32>
      %eq3A_72 = arith.cmpi eq, %iota3A, %eq3A_71 : vector<16xi32>
      %xor3A = arith.constant 1 : i32
      %xor3A_73 = vector.broadcast %xor3A : i32 to vector<16xi32>
      %xor3A_74 = arith.xori %iota3A, %xor3A_73 : vector<16xi32>
      %lt3A_75 = arith.constant 0 : i32
      %lt3A_76 = vector.broadcast %lt3A_75 : i32 to vector<16xi32>
      %lt3A_77 = arith.cmpi slt, %xor3A_74, %lt3A_76 : vector<16xi32>
      %add3A_78 = arith.constant 16 : i32
      %add3A_79 = vector.broadcast %add3A_78 : i32 to vector<16xi32>
      %add3A_80 = arith.addi %xor3A_74, %add3A_79 : vector<16xi32>
      %select_n3A_81 = arith.select %lt3A_77, %add3A_80, %xor3A_74 : vector<16xi1>, vector<16xi32>
      %broadcast_in_dim3A_82 = vector.shape_cast %select_n3A_81 : vector<16xi32> to vector<16x1xi32>
      %gather3A = vector.shape_cast %broadcast_in_dim3A_82 : vector<16x1xi32> to vector<16xi32>
      %gather3A_83 = tpu.dynamic_gather %scan3A_60[%gather3A] in [0] : vector<16xf32>, vector<16xi32> -> vector<16xf32>
      %max3A = arith.maximumf %scan3A_60, %gather3A_83 : vector<16xf32>
      %xor3A_84 = arith.constant 2 : i32
      %xor3A_85 = vector.broadcast %xor3A_84 : i32 to vector<16xi32>
      %xor3A_86 = arith.xori %iota3A, %xor3A_85 : vector<16xi32>
      %lt3A_87 = arith.constant 0 : i32
      %lt3A_88 = vector.broadcast %lt3A_87 : i32 to vector<16xi32>
      %lt3A_89 = arith.cmpi slt, %xor3A_86, %lt3A_88 : vector<16xi32>
      %add3A_90 = arith.constant 16 : i32
      %add3A_91 = vector.broadcast %add3A_90 : i32 to vector<16xi32>
      %add3A_92 = arith.addi %xor3A_86, %add3A_91 : vector<16xi32>
      %select_n3A_93 = arith.select %lt3A_89, %add3A_92, %xor3A_86 : vector<16xi1>, vector<16xi32>
      %broadcast_in_dim3A_94 = vector.shape_cast %select_n3A_93 : vector<16xi32> to vector<16x1xi32>
      %gather3A_95 = vector.shape_cast %broadcast_in_dim3A_94 : vector<16x1xi32> to vector<16xi32>
      %gather3A_96 = tpu.dynamic_gather %max3A[%gather3A_95] in [0] : vector<16xf32>, vector<16xi32> -> vector<16xf32>
      %max3A_97 = arith.maximumf %max3A, %gather3A_96 : vector<16xf32>
      %xor3A_98 = arith.constant 4 : i32
      %xor3A_99 = vector.broadcast %xor3A_98 : i32 to vector<16xi32>
      %xor3A_100 = arith.xori %iota3A, %xor3A_99 : vector<16xi32>
      %lt3A_101 = arith.constant 0 : i32
      %lt3A_102 = vector.broadcast %lt3A_101 : i32 to vector<16xi32>
      %lt3A_103 = arith.cmpi slt, %xor3A_100, %lt3A_102 : vector<16xi32>
      %add3A_104 = arith.constant 16 : i32
      %add3A_105 = vector.broadcast %add3A_104 : i32 to vector<16xi32>
      %add3A_106 = arith.addi %xor3A_100, %add3A_105 : vector<16xi32>
      %select_n3A_107 = arith.select %lt3A_103, %add3A_106, %xor3A_100 : vector<16xi1>, vector<16xi32>
      %broadcast_in_dim3A_108 = vector.shape_cast %select_n3A_107 : vector<16xi32> to vector<16x1xi32>
      %gather3A_109 = vector.shape_cast %broadcast_in_dim3A_108 : vector<16x1xi32> to vector<16xi32>
      %gather3A_110 = tpu.dynamic_gather %max3A_97[%gather3A_109] in [0] : vector<16xf32>, vector<16xi32> -> vector<16xf32>
      %max3A_111 = arith.maximumf %max3A_97, %gather3A_110 : vector<16xf32>
      %xor3A_112 = arith.constant 8 : i32
      %xor3A_113 = vector.broadcast %xor3A_112 : i32 to vector<16xi32>
      %xor3A_114 = arith.xori %iota3A, %xor3A_113 : vector<16xi32>
      %lt3A_115 = arith.constant 0 : i32
      %lt3A_116 = vector.broadcast %lt3A_115 : i32 to vector<16xi32>
      %lt3A_117 = arith.cmpi slt, %xor3A_114, %lt3A_116 : vector<16xi32>
      %add3A_118 = arith.constant 16 : i32
      %add3A_119 = vector.broadcast %add3A_118 : i32 to vector<16xi32>
      %add3A_120 = arith.addi %xor3A_114, %add3A_119 : vector<16xi32>
      %select_n3A_121 = arith.select %lt3A_117, %add3A_120, %xor3A_114 : vector<16xi1>, vector<16xi32>
      %broadcast_in_dim3A_122 = vector.shape_cast %select_n3A_121 : vector<16xi32> to vector<16x1xi32>
      %gather3A_123 = vector.shape_cast %broadcast_in_dim3A_122 : vector<16x1xi32> to vector<16xi32>
      %gather3A_124 = tpu.dynamic_gather %max3A_111[%gather3A_123] in [0] : vector<16xf32>, vector<16xi32> -> vector<16xf32>
      %max3A_125 = arith.maximumf %max3A_111, %gather3A_124 : vector<16xf32>
      %select_n3A_126 = arith.select %eq3A_72, %max3A_125, %scan3A_22 : vector<16xi1>, vector<16xf32>
      %add3A_127 = arith.constant 2 : i32
      %add3A_128 = arith.addi %mul3A_24, %add3A_127 : i32
      %lt3A_129 = arith.constant 768 : i32
      %lt3A_130 = arith.cmpi slt, %add3A_128, %lt3A_129 : i32
      %convert_element_type3A = arith.extui %lt3A_130 : i1 to i32
      %cond3A = arith.constant 0 : i32
      %cond3A_131 = arith.cmpi ne, %convert_element_type3A, %cond3A : i32
      scf.if %cond3A_131 {
        %add3A_254 = arith.addi %mul3A_2, %mul3A_24 : i32
        %add3A_255 = arith.constant 2 : i32
        %add3A_256 = arith.addi %add3A_254, %add3A_255 : i32
        %dma_start3A_257 = arith.constant 0 : i32
        %dma_start3A_258 = arith.constant 0 : i32
        %dma_start3A_259 = tpu.memref_slice %arg4[%dma_start3A_257, %dma_start3A_258] : memref<2x2048xf32, #tpu.memory_space<vmem>> -> memref<1x2048xf32, #tpu.memory_space<vmem>>
        %dma_start3A_260 = tpu.memref_squeeze %dma_start3A_259 : memref<1x2048xf32, #tpu.memory_space<vmem>> -> memref<2048xf32, #tpu.memory_space<vmem>>
        %dma_start3A_261 = arith.constant 0 : i32
        %dma_start3A_262 = tpu.memref_slice %arg2[%add3A_256, %dma_start3A_261] : memref<24576x2048xf32, #tpu.memory_space<hbm>> -> memref<1x2048xf32, #tpu.memory_space<hbm>>
        %dma_start3A_263 = tpu.memref_squeeze %dma_start3A_262 : memref<1x2048xf32, #tpu.memory_space<hbm>> -> memref<2048xf32, #tpu.memory_space<hbm>>
        %dma_start3A_264 = arith.constant 0 : i32
        %dma_start3A_265 = tpu.memref_slice %arg4[%dma_start3A_257, %dma_start3A_264] : memref<2x2048xf32, #tpu.memory_space<vmem>> -> memref<1x2048xf32, #tpu.memory_space<vmem>>
        %dma_start3A_266 = tpu.memref_squeeze %dma_start3A_265 : memref<1x2048xf32, #tpu.memory_space<vmem>> -> memref<2048xf32, #tpu.memory_space<vmem>>
        %dma_start3A_267 = arith.constant 0 : i32
        %dma_start3A_268 = tpu.memref_slice %arg2[%add3A_256, %dma_start3A_267] : memref<24576x2048xf32, #tpu.memory_space<hbm>> -> memref<1x2048xf32, #tpu.memory_space<hbm>>
        %dma_start3A_269 = tpu.memref_squeeze %dma_start3A_268 : memref<1x2048xf32, #tpu.memory_space<hbm>> -> memref<2048xf32, #tpu.memory_space<hbm>>
        tpu.enqueue_dma source(%dma_start3A_269 : memref<2048xf32, #tpu.memory_space<hbm>>) target(%dma_start3A_266 : memref<2048xf32, #tpu.memory_space<vmem>>) target_semaphore(%arg6 : memref<!tpu.dma_semaphore, #tpu.memory_space<semaphore_mem>>)
      } else {
      }
      %add3A_132 = arith.addi %mul3A_2, %mul3A_24 : i32
      %add3A_133 = arith.constant 1 : i32
      %add3A_134 = arith.addi %add3A_132, %add3A_133 : i32
      %dma_wait3A_135 = arith.constant 1 : i32
      %dma_wait3A_136 = arith.constant 0 : i32
      %dma_wait3A_137 = tpu.memref_slice %arg4[%dma_wait3A_135, %dma_wait3A_136] : memref<2x2048xf32, #tpu.memory_space<vmem>> -> memref<1x2048xf32, #tpu.memory_space<vmem>>
      %dma_wait3A_138 = tpu.memref_squeeze %dma_wait3A_137 : memref<1x2048xf32, #tpu.memory_space<vmem>> -> memref<2048xf32, #tpu.memory_space<vmem>>
      %dma_wait3A_139 = arith.constant 0 : i32
      %dma_wait3A_140 = tpu.memref_slice %arg2[%add3A_134, %dma_wait3A_139] : memref<24576x2048xf32, #tpu.memory_space<hbm>> -> memref<1x2048xf32, #tpu.memory_space<hbm>>
      %dma_wait3A_141 = tpu.memref_squeeze %dma_wait3A_140 : memref<1x2048xf32, #tpu.memory_space<hbm>> -> memref<2048xf32, #tpu.memory_space<hbm>>
      %dma_wait3A_142 = arith.constant 0 : i32
      %dma_wait3A_143 = tpu.memref_slice %arg4[%dma_wait3A_135, %dma_wait3A_142] : memref<2x2048xf32, #tpu.memory_space<vmem>> -> memref<1x2048xf32, #tpu.memory_space<vmem>>
      %dma_wait3A_144 = tpu.memref_squeeze %dma_wait3A_143 : memref<1x2048xf32, #tpu.memory_space<vmem>> -> memref<2048xf32, #tpu.memory_space<vmem>>
      %dma_wait3A_145 = arith.constant 0 : i32
      %dma_wait3A_146 = tpu.memref_slice %arg2[%add3A_134, %dma_wait3A_145] : memref<24576x2048xf32, #tpu.memory_space<hbm>> -> memref<1x2048xf32, #tpu.memory_space<hbm>>
      %dma_wait3A_147 = tpu.memref_squeeze %dma_wait3A_146 : memref<1x2048xf32, #tpu.memory_space<hbm>> -> memref<2048xf32, #tpu.memory_space<hbm>>
      tpu.wait_dma2 semaphore(%arg7 : memref<!tpu.dma_semaphore, #tpu.memory_space<semaphore_mem>>) src(%dma_wait3A_147 : memref<2048xf32, #tpu.memory_space<hbm>>) dst(%dma_wait3A_144 : memref<2048xf32, #tpu.memory_space<vmem>>)
      %add3A_148 = arith.constant 1 : i32
      %add3A_149 = arith.addi %mul3A_24, %add3A_148 : i32
      %broadcast_in_dim3A_150 = arith.constant 0xFF800000 : f32
      %broadcast_in_dim3A_151 = vector.broadcast %broadcast_in_dim3A_150 : f32 to vector<16xf32>
      %scan3A_152 = arith.constant 0 : i32
      %scan3A_153 = arith.constant 128 : i32
      %scan3A_154 = arith.addi %scan3A_152, %scan3A_153 : i32
      %scan3A_155 = arith.constant 8 : i32
      %scan3A_156 = scf.for %scan3A_254 = %scan3A_152 to %scan3A_154 step %scan3A_155 iter_args(%scan3A_255 = %broadcast_in_dim3A_151) -> (vector<16xf32>)  : i32 {
        %mul3A_256 = arith.constant 16 : i32
        %mul3A_257 = arith.muli %scan3A_254, %mul3A_256 : i32
        %get3A = arith.constant 1 : i32
        %get3A_258 = arith.constant 0 : i32
        %get3A_259 = tpu.memref_slice %arg4[%get3A, %get3A_258] : memref<2x2048xf32, #tpu.memory_space<vmem>> -> memref<1x2048xf32, #tpu.memory_space<vmem>>
        %get3A_260 = tpu.memref_squeeze %get3A_259 : memref<1x2048xf32, #tpu.memory_space<vmem>> -> memref<2048xf32, #tpu.memory_space<vmem>>
        %get3A_261 = arith.index_cast %mul3A_257 : i32 to index
        %get3A_262 = tpu.vector_load %get3A_260[%get3A_261] {strides = array<i32>} : memref<2048xf32, #tpu.memory_space<vmem>>, vector<16xf32>,
        %get3A_263 = vector.shape_cast %get3A_262 : vector<16xf32> to vector<16xf32>
        %max3A_264 = arith.maximumf %scan3A_255, %get3A_263 : vector<16xf32>
        %scan3A_265 = arith.constant 1 : i32
        %scan3A_266 = arith.addi %scan3A_254, %scan3A_265 : i32
        %mul3A_267 = arith.constant 16 : i32
        %mul3A_268 = arith.muli %scan3A_266, %mul3A_267 : i32
        %get3A_269 = arith.constant 1 : i32
        %get3A_270 = arith.constant 0 : i32
        %get3A_271 = tpu.memref_slice %arg4[%get3A_269, %get3A_270] : memref<2x2048xf32, #tpu.memory_space<vmem>> -> memref<1x2048xf32, #tpu.memory_space<vmem>>
        %get3A_272 = tpu.memref_squeeze %get3A_271 : memref<1x2048xf32, #tpu.memory_space<vmem>> -> memref<2048xf32, #tpu.memory_space<vmem>>
        %get3A_273 = arith.index_cast %mul3A_268 : i32 to index
        %get3A_274 = tpu.vector_load %get3A_272[%get3A_273] {strides = array<i32>} : memref<2048xf32, #tpu.memory_space<vmem>>, vector<16xf32>,
        %get3A_275 = vector.shape_cast %get3A_274 : vector<16xf32> to vector<16xf32>
        %max3A_276 = arith.maximumf %max3A_264, %get3A_275 : vector<16xf32>
        %scan3A_277 = arith.constant 2 : i32
        %scan3A_278 = arith.addi %scan3A_254, %scan3A_277 : i32
        %mul3A_279 = arith.constant 16 : i32
        %mul3A_280 = arith.muli %scan3A_278, %mul3A_279 : i32
        %get3A_281 = arith.constant 1 : i32
        %get3A_282 = arith.constant 0 : i32
        %get3A_283 = tpu.memref_slice %arg4[%get3A_281, %get3A_282] : memref<2x2048xf32, #tpu.memory_space<vmem>> -> memref<1x2048xf32, #tpu.memory_space<vmem>>
        %get3A_284 = tpu.memref_squeeze %get3A_283 : memref<1x2048xf32, #tpu.memory_space<vmem>> -> memref<2048xf32, #tpu.memory_space<vmem>>
        %get3A_285 = arith.index_cast %mul3A_280 : i32 to index
        %get3A_286 = tpu.vector_load %get3A_284[%get3A_285] {strides = array<i32>} : memref<2048xf32, #tpu.memory_space<vmem>>, vector<16xf32>,
        %get3A_287 = vector.shape_cast %get3A_286 : vector<16xf32> to vector<16xf32>
        %max3A_288 = arith.maximumf %max3A_276, %get3A_287 : vector<16xf32>
        %scan3A_289 = arith.constant 3 : i32
        %scan3A_290 = arith.addi %scan3A_254, %scan3A_289 : i32
        %mul3A_291 = arith.constant 16 : i32
        %mul3A_292 = arith.muli %scan3A_290, %mul3A_291 : i32
        %get3A_293 = arith.constant 1 : i32
        %get3A_294 = arith.constant 0 : i32
        %get3A_295 = tpu.memref_slice %arg4[%get3A_293, %get3A_294] : memref<2x2048xf32, #tpu.memory_space<vmem>> -> memref<1x2048xf32, #tpu.memory_space<vmem>>
        %get3A_296 = tpu.memref_squeeze %get3A_295 : memref<1x2048xf32, #tpu.memory_space<vmem>> -> memref<2048xf32, #tpu.memory_space<vmem>>
        %get3A_297 = arith.index_cast %mul3A_292 : i32 to index
        %get3A_298 = tpu.vector_load %get3A_296[%get3A_297] {strides = array<i32>} : memref<2048xf32, #tpu.memory_space<vmem>>, vector<16xf32>,
        %get3A_299 = vector.shape_cast %get3A_298 : vector<16xf32> to vector<16xf32>
        %max3A_300 = arith.maximumf %max3A_288, %get3A_299 : vector<16xf32>
        %scan3A_301 = arith.constant 4 : i32
        %scan3A_302 = arith.addi %scan3A_254, %scan3A_301 : i32
        %mul3A_303 = arith.constant 16 : i32
        %mul3A_304 = arith.muli %scan3A_302, %mul3A_303 : i32
        %get3A_305 = arith.constant 1 : i32
        %get3A_306 = arith.constant 0 : i32
        %get3A_307 = tpu.memref_slice %arg4[%get3A_305, %get3A_306] : memref<2x2048xf32, #tpu.memory_space<vmem>> -> memref<1x2048xf32, #tpu.memory_space<vmem>>
        %get3A_308 = tpu.memref_squeeze %get3A_307 : memref<1x2048xf32, #tpu.memory_space<vmem>> -> memref<2048xf32, #tpu.memory_space<vmem>>
        %get3A_309 = arith.index_cast %mul3A_304 : i32 to index
        %get3A_310 = tpu.vector_load %get3A_308[%get3A_309] {strides = array<i32>} : memref<2048xf32, #tpu.memory_space<vmem>>, vector<16xf32>,
        %get3A_311 = vector.shape_cast %get3A_310 : vector<16xf32> to vector<16xf32>
        %max3A_312 = arith.maximumf %max3A_300, %get3A_311 : vector<16xf32>
        %scan3A_313 = arith.constant 5 : i32
        %scan3A_314 = arith.addi %scan3A_254, %scan3A_313 : i32
        %mul3A_315 = arith.constant 16 : i32
        %mul3A_316 = arith.muli %scan3A_314, %mul3A_315 : i32
        %get3A_317 = arith.constant 1 : i32
        %get3A_318 = arith.constant 0 : i32
        %get3A_319 = tpu.memref_slice %arg4[%get3A_317, %get3A_318] : memref<2x2048xf32, #tpu.memory_space<vmem>> -> memref<1x2048xf32, #tpu.memory_space<vmem>>
        %get3A_320 = tpu.memref_squeeze %get3A_319 : memref<1x2048xf32, #tpu.memory_space<vmem>> -> memref<2048xf32, #tpu.memory_space<vmem>>
        %get3A_321 = arith.index_cast %mul3A_316 : i32 to index
        %get3A_322 = tpu.vector_load %get3A_320[%get3A_321] {strides = array<i32>} : memref<2048xf32, #tpu.memory_space<vmem>>, vector<16xf32>,
        %get3A_323 = vector.shape_cast %get3A_322 : vector<16xf32> to vector<16xf32>
        %max3A_324 = arith.maximumf %max3A_312, %get3A_323 : vector<16xf32>
        %scan3A_325 = arith.constant 6 : i32
        %scan3A_326 = arith.addi %scan3A_254, %scan3A_325 : i32
        %mul3A_327 = arith.constant 16 : i32
        %mul3A_328 = arith.muli %scan3A_326, %mul3A_327 : i32
        %get3A_329 = arith.constant 1 : i32
        %get3A_330 = arith.constant 0 : i32
        %get3A_331 = tpu.memref_slice %arg4[%get3A_329, %get3A_330] : memref<2x2048xf32, #tpu.memory_space<vmem>> -> memref<1x2048xf32, #tpu.memory_space<vmem>>
        %get3A_332 = tpu.memref_squeeze %get3A_331 : memref<1x2048xf32, #tpu.memory_space<vmem>> -> memref<2048xf32, #tpu.memory_space<vmem>>
        %get3A_333 = arith.index_cast %mul3A_328 : i32 to index
        %get3A_334 = tpu.vector_load %get3A_332[%get3A_333] {strides = array<i32>} : memref<2048xf32, #tpu.memory_space<vmem>>, vector<16xf32>,
        %get3A_335 = vector.shape_cast %get3A_334 : vector<16xf32> to vector<16xf32>
        %max3A_336 = arith.maximumf %max3A_324, %get3A_335 : vector<16xf32>
        %scan3A_337 = arith.constant 7 : i32
        %scan3A_338 = arith.addi %scan3A_254, %scan3A_337 : i32
        %mul3A_339 = arith.constant 16 : i32
        %mul3A_340 = arith.muli %scan3A_338, %mul3A_339 : i32
        %get3A_341 = arith.constant 1 : i32
        %get3A_342 = arith.constant 0 : i32
        %get3A_343 = tpu.memref_slice %arg4[%get3A_341, %get3A_342] : memref<2x2048xf32, #tpu.memory_space<vmem>> -> memref<1x2048xf32, #tpu.memory_space<vmem>>
        %get3A_344 = tpu.memref_squeeze %get3A_343 : memref<1x2048xf32, #tpu.memory_space<vmem>> -> memref<2048xf32, #tpu.memory_space<vmem>>
        %get3A_345 = arith.index_cast %mul3A_340 : i32 to index
        %get3A_346 = tpu.vector_load %get3A_344[%get3A_345] {strides = array<i32>} : memref<2048xf32, #tpu.memory_space<vmem>>, vector<16xf32>,
        %get3A_347 = vector.shape_cast %get3A_346 : vector<16xf32> to vector<16xf32>
        %max3A_348 = arith.maximumf %max3A_336, %get3A_347 : vector<16xf32>
        scf.yield %max3A_348 : vector<16xf32>
      }
      %scan3A_157 = arith.constant 128 : i32
      %jit3A_158 = arith.constant 16 : i32
      %eq3A_159 = arith.constant 0 : i32
      %eq3A_160 = arith.cmpi eq, %jit3A_158, %eq3A_159 : i32
      %jit3A_161 = arith.constant 1 : i32
      %select_n3A_162 = arith.select %eq3A_160, %jit3A_161, %jit3A_158 : i32
      %rem3A_163 = arith.remsi %add3A_149, %select_n3A_162 : i32
      %ne3A_164 = arith.constant 0 : i32
      %ne3A_165 = arith.cmpi ne, %rem3A_163, %ne3A_164 : i32
      %lt3A_166 = arith.constant 0 : i32
      %lt3A_167 = arith.cmpi slt, %rem3A_163, %lt3A_166 : i32
      %lt3A_168 = arith.constant 0 : i32
      %lt3A_169 = arith.cmpi slt, %select_n3A_162, %lt3A_168 : i32
      %ne3A_170 = arith.xori %lt3A_167, %lt3A_169 : i1
      %and3A_171 = arith.andi %ne3A_170, %ne3A_165 : i1
      %add3A_172 = arith.addi %rem3A_163, %select_n3A_162 : i32
      %select_n3A_173 = arith.select %and3A_171, %add3A_172, %rem3A_163 : i32
      %eq3A_174 = vector.broadcast %select_n3A_173 : i32 to vector<16xi32>
      %eq3A_175 = arith.cmpi eq, %iota3A, %eq3A_174 : vector<16xi32>
      %xor3A_176 = arith.constant 1 : i32
      %xor3A_177 = vector.broadcast %xor3A_176 : i32 to vector<16xi32>
      %xor3A_178 = arith.xori %iota3A, %xor3A_177 : vector<16xi32>
      %lt3A_179 = arith.constant 0 : i32
      %lt3A_180 = vector.broadcast %lt3A_179 : i32 to vector<16xi32>
      %lt3A_181 = arith.cmpi slt, %xor3A_178, %lt3A_180 : vector<16xi32>
      %add3A_182 = arith.constant 16 : i32
      %add3A_183 = vector.broadcast %add3A_182 : i32 to vector<16xi32>
      %add3A_184 = arith.addi %xor3A_178, %add3A_183 : vector<16xi32>
      %select_n3A_185 = arith.select %lt3A_181, %add3A_184, %xor3A_178 : vector<16xi1>, vector<16xi32>
      %broadcast_in_dim3A_186 = vector.shape_cast %select_n3A_185 : vector<16xi32> to vector<16x1xi32>
      %gather3A_187 = vector.shape_cast %broadcast_in_dim3A_186 : vector<16x1xi32> to vector<16xi32>
      %gather3A_188 = tpu.dynamic_gather %scan3A_156[%gather3A_187] in [0] : vector<16xf32>, vector<16xi32> -> vector<16xf32>
      %max3A_189 = arith.maximumf %scan3A_156, %gather3A_188 : vector<16xf32>
      %xor3A_190 = arith.constant 2 : i32
      %xor3A_191 = vector.broadcast %xor3A_190 : i32 to vector<16xi32>
      %xor3A_192 = arith.xori %iota3A, %xor3A_191 : vector<16xi32>
      %lt3A_193 = arith.constant 0 : i32
      %lt3A_194 = vector.broadcast %lt3A_193 : i32 to vector<16xi32>
      %lt3A_195 = arith.cmpi slt, %xor3A_192, %lt3A_194 : vector<16xi32>
      %add3A_196 = arith.constant 16 : i32
      %add3A_197 = vector.broadcast %add3A_196 : i32 to vector<16xi32>
      %add3A_198 = arith.addi %xor3A_192, %add3A_197 : vector<16xi32>
      %select_n3A_199 = arith.select %lt3A_195, %add3A_198, %xor3A_192 : vector<16xi1>, vector<16xi32>
      %broadcast_in_dim3A_200 = vector.shape_cast %select_n3A_199 : vector<16xi32> to vector<16x1xi32>
      %gather3A_201 = vector.shape_cast %broadcast_in_dim3A_200 : vector<16x1xi32> to vector<16xi32>
      %gather3A_202 = tpu.dynamic_gather %max3A_189[%gather3A_201] in [0] : vector<16xf32>, vector<16xi32> -> vector<16xf32>
      %max3A_203 = arith.maximumf %max3A_189, %gather3A_202 : vector<16xf32>
      %xor3A_204 = arith.constant 4 : i32
      %xor3A_205 = vector.broadcast %xor3A_204 : i32 to vector<16xi32>
      %xor3A_206 = arith.xori %iota3A, %xor3A_205 : vector<16xi32>
      %lt3A_207 = arith.constant 0 : i32
      %lt3A_208 = vector.broadcast %lt3A_207 : i32 to vector<16xi32>
      %lt3A_209 = arith.cmpi slt, %xor3A_206, %lt3A_208 : vector<16xi32>
      %add3A_210 = arith.constant 16 : i32
      %add3A_211 = vector.broadcast %add3A_210 : i32 to vector<16xi32>
      %add3A_212 = arith.addi %xor3A_206, %add3A_211 : vector<16xi32>
      %select_n3A_213 = arith.select %lt3A_209, %add3A_212, %xor3A_206 : vector<16xi1>, vector<16xi32>
      %broadcast_in_dim3A_214 = vector.shape_cast %select_n3A_213 : vector<16xi32> to vector<16x1xi32>
      %gather3A_215 = vector.shape_cast %broadcast_in_dim3A_214 : vector<16x1xi32> to vector<16xi32>
      %gather3A_216 = tpu.dynamic_gather %max3A_203[%gather3A_215] in [0] : vector<16xf32>, vector<16xi32> -> vector<16xf32>
      %max3A_217 = arith.maximumf %max3A_203, %gather3A_216 : vector<16xf32>
      %xor3A_218 = arith.constant 8 : i32
      %xor3A_219 = vector.broadcast %xor3A_218 : i32 to vector<16xi32>
      %xor3A_220 = arith.xori %iota3A, %xor3A_219 : vector<16xi32>
      %lt3A_221 = arith.constant 0 : i32
      %lt3A_222 = vector.broadcast %lt3A_221 : i32 to vector<16xi32>
      %lt3A_223 = arith.cmpi slt, %xor3A_220, %lt3A_222 : vector<16xi32>
      %add3A_224 = arith.constant 16 : i32
      %add3A_225 = vector.broadcast %add3A_224 : i32 to vector<16xi32>
      %add3A_226 = arith.addi %xor3A_220, %add3A_225 : vector<16xi32>
      %select_n3A_227 = arith.select %lt3A_223, %add3A_226, %xor3A_220 : vector<16xi1>, vector<16xi32>
      %broadcast_in_dim3A_228 = vector.shape_cast %select_n3A_227 : vector<16xi32> to vector<16x1xi32>
      %gather3A_229 = vector.shape_cast %broadcast_in_dim3A_228 : vector<16x1xi32> to vector<16xi32>
      %gather3A_230 = tpu.dynamic_gather %max3A_217[%gather3A_229] in [0] : vector<16xf32>, vector<16xi32> -> vector<16xf32>
      %max3A_231 = arith.maximumf %max3A_217, %gather3A_230 : vector<16xf32>
      %select_n3A_232 = arith.select %eq3A_175, %max3A_231, %select_n3A_126 : vector<16xi1>, vector<16xf32>
      %jit3A_233 = arith.constant 8 : i32
      %eq3A_234 = arith.constant 0 : i32
      %eq3A_235 = arith.cmpi eq, %jit3A_233, %eq3A_234 : i32
      %jit3A_236 = arith.constant 1 : i32
      %select_n3A_237 = arith.select %eq3A_235, %jit3A_236, %jit3A_233 : i32
      %rem3A_238 = arith.remsi %scan3A_21, %select_n3A_237 : i32
      %ne3A_239 = arith.constant 0 : i32
      %ne3A_240 = arith.cmpi ne, %rem3A_238, %ne3A_239 : i32
      %lt3A_241 = arith.constant 0 : i32
      %lt3A_242 = arith.cmpi slt, %rem3A_238, %lt3A_241 : i32
      %lt3A_243 = arith.constant 0 : i32
      %lt3A_244 = arith.cmpi slt, %select_n3A_237, %lt3A_243 : i32
      %ne3A_245 = arith.xori %lt3A_242, %lt3A_244 : i1
      %and3A_246 = arith.andi %ne3A_245, %ne3A_240 : i1
      %add3A_247 = arith.addi %rem3A_238, %select_n3A_237 : i32
      %select_n3A_248 = arith.select %and3A_246, %add3A_247, %rem3A_238 : i32
      %eq3A_249 = arith.constant 7 : i32
      %eq3A_250 = arith.cmpi eq, %select_n3A_248, %eq3A_249 : i32
      %convert_element_type3A_251 = arith.extui %eq3A_250 : i1 to i32
      %cond3A_252 = arith.constant 0 : i32
      %cond3A_253 = arith.cmpi ne, %convert_element_type3A_251, %cond3A_252 : i32
      scf.if %cond3A_253 {
        %jit3A_254 = arith.constant 8 : i32
        %div3A = arith.divsi %scan3A_21, %jit3A_254 : i32
        %sign3A = arith.constant 0 : i32
        %sign3A_255 = arith.cmpi sgt, %scan3A_21, %sign3A : i32
        %sign3A_256 = arith.extui %sign3A_255 : i1 to i32
        %sign3A_257 = arith.constant 0 : i32
        %sign3A_258 = arith.cmpi slt, %scan3A_21, %sign3A_257 : i32
        %sign3A_259 = arith.extui %sign3A_258 : i1 to i32
        %sign3A_260 = arith.subi %sign3A_256, %sign3A_259 : i32
        %sign3A_261 = arith.constant 0 : i32
        %sign3A_262 = arith.cmpi sgt, %jit3A_254, %sign3A_261 : i32
        %sign3A_263 = arith.extui %sign3A_262 : i1 to i32
        %sign3A_264 = arith.constant 0 : i32
        %sign3A_265 = arith.cmpi slt, %jit3A_254, %sign3A_264 : i32
        %sign3A_266 = arith.extui %sign3A_265 : i1 to i32
        %sign3A_267 = arith.subi %sign3A_263, %sign3A_266 : i32
        %ne3A_268 = arith.cmpi ne, %sign3A_260, %sign3A_267 : i32
        %rem3A_269 = arith.remsi %scan3A_21, %jit3A_254 : i32
        %ne3A_270 = arith.constant 0 : i32
        %ne3A_271 = arith.cmpi ne, %rem3A_269, %ne3A_270 : i32
        %and3A_272 = arith.andi %ne3A_268, %ne3A_271 : i1
        %sub3A = arith.constant 1 : i32
        %sub3A_273 = arith.subi %div3A, %sub3A : i32
        %select_n3A_274 = arith.select %and3A_272, %sub3A_273, %div3A : i32
        %mul3A_275 = arith.constant 16 : i32
        %mul3A_276 = arith.muli %select_n3A_274, %mul3A_275 : i32
        %swap3A = arith.index_cast %mul3A_276 : i32 to index
        %swap3A_277 = tpu.vector_load %arg5[%swap3A] {strides = array<i32>} : memref<768xf32, #tpu.memory_space<vmem>>, vector<16xf32>,
        %swap3A_278 = vector.shape_cast %swap3A_277 : vector<16xf32> to vector<16xf32>
        %swap3A_279 = vector.shape_cast %select_n3A_232 : vector<16xf32> to vector<16xf32>
        tpu.vector_store %arg5[%swap3A], %swap3A_279 {strides = array<i32>} : memref<768xf32, #tpu.memory_space<vmem>>, vector<16xf32>,
      } else {
      }
      scf.yield %select_n3A_232 : vector<16xf32>
    }
    %scan3A_20 = arith.constant 384 : i32
    "tpu.region"() ({
      %run_scoped3A = tpu.sem_alloc : memref<!tpu.dma_semaphore, #tpu.memory_space<semaphore_mem>>
      %dma_start3A_21 = tpu.memref_slice %arg3[%mul3A_2] : memref<24576xf32, #tpu.memory_space<hbm>> -> memref<768xf32, #tpu.memory_space<hbm>>
      %dma_start3A_22 = tpu.memref_slice %arg3[%mul3A_2] : memref<24576xf32, #tpu.memory_space<hbm>> -> memref<768xf32, #tpu.memory_space<hbm>>
      tpu.enqueue_dma source(%arg5 : memref<768xf32, #tpu.memory_space<vmem>>) target(%dma_start3A_22 : memref<768xf32, #tpu.memory_space<hbm>>) target_semaphore(%run_scoped3A : memref<!tpu.dma_semaphore, #tpu.memory_space<semaphore_mem>>)
      %dma_wait3A = tpu.memref_slice %arg3[%mul3A_2] : memref<24576xf32, #tpu.memory_space<hbm>> -> memref<768xf32, #tpu.memory_space<hbm>>
      %dma_wait3A_23 = tpu.memref_slice %arg3[%mul3A_2] : memref<24576xf32, #tpu.memory_space<hbm>> -> memref<768xf32, #tpu.memory_space<hbm>>
      tpu.wait_dma2 semaphore(%run_scoped3A : memref<!tpu.dma_semaphore, #tpu.memory_space<semaphore_mem>>) src(%arg5 : memref<768xf32, #tpu.memory_space<vmem>>) dst(%dma_wait3A_23 : memref<768xf32, #tpu.memory_space<hbm>>)
      tpu.yield
    }) : () -> ()
    return
  }
}

module attributes {stable_mosaic.version = 14 : i64} {
  func.func @_scores_kernel(%arg0: i32, %arg1: i32, %arg2: memref<1x256x64xf32, #tpu.memory_space<vmem>>, %arg3: memref<1x2048x64xf32, #tpu.memory_space<vmem>>, %arg4: memref<1x256x2048xf32, #tpu.memory_space<vmem>>) attributes {dimension_semantics = [#tpu.dimension_semantics<parallel>, #tpu.dimension_semantics<arbitrary>], iteration_bounds = array<i64: 12, 8>, scalar_prefetch = 0 : i64, scratch_operands = 0 : i64, tpu.core_type = #tpu.core_type<tc>, window_params = [{transform_indices = @transform_0, window_bounds = array<i64: 1, 256, 64>}, {transform_indices = @transform_1, window_bounds = array<i64: 1, 2048, 64>}, {transform_indices = @transform_2, window_bounds = array<i64: 1, 256, 2048>}]} {
    %get3A = arith.constant 0 : index
    %get3A_0 = arith.constant 0 : index
    %get3A_1 = arith.constant 0 : index
    %get3A_2 = vector.load %arg2[%get3A, %get3A_0, %get3A_1] : memref<1x256x64xf32, #tpu.memory_space<vmem>>, vector<1x256x64xf32>
    %get3A_3 = vector.shape_cast %get3A_2 : vector<1x256x64xf32> to vector<256x64xf32>
    %get3A_4 = arith.constant 0 : index
    %get3A_5 = arith.constant 0 : index
    %get3A_6 = arith.constant 0 : index
    %get3A_7 = vector.load %arg3[%get3A_4, %get3A_5, %get3A_6] : memref<1x2048x64xf32, #tpu.memory_space<vmem>>, vector<1x2048x64xf32>
    %get3A_8 = vector.shape_cast %get3A_7 : vector<1x2048x64xf32> to vector<2048x64xf32>
    %dot_general3A = arith.constant dense<0.000000e+00> : vector<256x2048xf32>
    %dot_general3A_9 = tpu.matmul %get3A_3, %get3A_8, %dot_general3A {dimension_numbers = #tpu.dot_dimension_numbers<[1], [1], [0], [0], [0, 0, 1, 0], [], []>, transpose_lhs_hint = false} : vector<256x64xf32>, vector<2048x64xf32>, vector<256x2048xf32> -> vector<256x2048xf32>
    %swap3A = arith.constant 0 : index
    %swap3A_10 = arith.constant 0 : index
    %swap3A_11 = arith.constant 0 : index
    %swap3A_12 = vector.load %arg4[%swap3A, %swap3A_10, %swap3A_11] : memref<1x256x2048xf32, #tpu.memory_space<vmem>>, vector<1x256x2048xf32>
    %swap3A_13 = vector.shape_cast %swap3A_12 : vector<1x256x2048xf32> to vector<256x2048xf32>
    %swap3A_14 = vector.shape_cast %dot_general3A_9 : vector<256x2048xf32> to vector<1x256x2048xf32>
    tpu.vector_store %arg4[%swap3A, %swap3A_10, %swap3A_11], %swap3A_14 {strides = array<i32>} : memref<1x256x2048xf32, #tpu.memory_space<vmem>>, vector<1x256x2048xf32>,
    return
  }
  func.func @transform_0(%arg0: i32, %arg1: i32) -> (i32, i32, i32) {
    %c0_i32 = arith.constant 0 : i32
    %c0_i32_0 = arith.constant 0 : i32
    return %arg0, %arg1, %c0_i32 : i32, i32, i32
  }
  func.func @transform_1(%arg0: i32, %arg1: i32) -> (i32, i32, i32) {
    %c0_i32 = arith.constant 0 : i32
    %c0_i32_0 = arith.constant 0 : i32
    %c0_i32_1 = arith.constant 0 : i32
    return %arg0, %c0_i32, %c0_i32_0 : i32, i32, i32
  }
  func.func @transform_2(%arg0: i32, %arg1: i32) -> (i32, i32, i32) {
    %c0_i32 = arith.constant 0 : i32
    %c0_i32_0 = arith.constant 0 : i32
    return %arg0, %arg1, %c0_i32 : i32, i32, i32
  }
}

module attributes {stable_mosaic.version = 14 : i64} {
  func.func @_attn_block_kernel(%arg0: i32, %arg1: i32, %arg2: memref<1x256x2048xf32, #tpu.memory_space<vmem>>, %arg3: memref<1x1x1x256xf32, #tpu.memory_space<vmem>>, %arg4: memref<1x2048x64xf32, #tpu.memory_space<vmem>>, %arg5: memref<1x256x2048xf32, #tpu.memory_space<vmem>>, %arg6: memref<1x256x64xf32, #tpu.memory_space<vmem>>, %arg7: memref<256x1xf32, #tpu.memory_space<vmem>>) attributes {dimension_semantics = [#tpu.dimension_semantics<parallel>, #tpu.dimension_semantics<arbitrary>], iteration_bounds = array<i64: 12, 8>, scalar_prefetch = 0 : i64, scratch_operands = 1 : i64, tpu.core_type = #tpu.core_type<tc>, window_params = [{transform_indices = @transform_0, window_bounds = array<i64: 1, 256, 2048>}, {transform_indices = @transform_1, window_bounds = array<i64: 1, 1, 1, 256>}, {transform_indices = @transform_2, window_bounds = array<i64: 1, 2048, 64>}, {transform_indices = @transform_3, window_bounds = array<i64: 1, 256, 2048>}, {transform_indices = @transform_4, window_bounds = array<i64: 1, 256, 64>}]} {
    %get3A = arith.constant 0 : index
    %get3A_0 = arith.constant 0 : index
    %get3A_1 = arith.constant 0 : index
    %get3A_2 = vector.load %arg2[%get3A, %get3A_0, %get3A_1] : memref<1x256x2048xf32, #tpu.memory_space<vmem>>, vector<1x256x2048xf32>
    %get3A_3 = vector.shape_cast %get3A_2 : vector<1x256x2048xf32> to vector<256x2048xf32>
    %get3A_4 = arith.constant 0 : index
    %get3A_5 = arith.constant 0 : index
    %get3A_6 = arith.constant 0 : index
    %get3A_7 = arith.constant 0 : index
    %get3A_8 = vector.load %arg3[%get3A_4, %get3A_5, %get3A_6, %get3A_7] : memref<1x1x1x256xf32, #tpu.memory_space<vmem>>, vector<1x1x1x256xf32>
    %get3A_9 = vector.shape_cast %get3A_8 : vector<1x1x1x256xf32> to vector<1x256xf32>
    %reshape3A = vector.shape_cast %get3A_9 : vector<1x256xf32> to vector<256x1xf32>
    %slice3A = vector.extract_strided_slice %get3A_3 {offsets = [0, 0], sizes = [256, 128], strides = [1, 1]} : vector<256x2048xf32> to vector<256x128xf32>
    %slice3A_10 = vector.extract_strided_slice %get3A_3 {offsets = [0, 128], sizes = [256, 128], strides = [1, 1]} : vector<256x2048xf32> to vector<256x128xf32>
    %slice3A_11 = vector.extract_strided_slice %get3A_3 {offsets = [0, 256], sizes = [256, 128], strides = [1, 1]} : vector<256x2048xf32> to vector<256x128xf32>
    %slice3A_12 = vector.extract_strided_slice %get3A_3 {offsets = [0, 384], sizes = [256, 128], strides = [1, 1]} : vector<256x2048xf32> to vector<256x128xf32>
    %slice3A_13 = vector.extract_strided_slice %get3A_3 {offsets = [0, 512], sizes = [256, 128], strides = [1, 1]} : vector<256x2048xf32> to vector<256x128xf32>
    %slice3A_14 = vector.extract_strided_slice %get3A_3 {offsets = [0, 640], sizes = [256, 128], strides = [1, 1]} : vector<256x2048xf32> to vector<256x128xf32>
    %slice3A_15 = vector.extract_strided_slice %get3A_3 {offsets = [0, 768], sizes = [256, 128], strides = [1, 1]} : vector<256x2048xf32> to vector<256x128xf32>
    %slice3A_16 = vector.extract_strided_slice %get3A_3 {offsets = [0, 896], sizes = [256, 128], strides = [1, 1]} : vector<256x2048xf32> to vector<256x128xf32>
    %slice3A_17 = vector.extract_strided_slice %get3A_3 {offsets = [0, 1024], sizes = [256, 128], strides = [1, 1]} : vector<256x2048xf32> to vector<256x128xf32>
    %slice3A_18 = vector.extract_strided_slice %get3A_3 {offsets = [0, 1152], sizes = [256, 128], strides = [1, 1]} : vector<256x2048xf32> to vector<256x128xf32>
    %slice3A_19 = vector.extract_strided_slice %get3A_3 {offsets = [0, 1280], sizes = [256, 128], strides = [1, 1]} : vector<256x2048xf32> to vector<256x128xf32>
    %slice3A_20 = vector.extract_strided_slice %get3A_3 {offsets = [0, 1408], sizes = [256, 128], strides = [1, 1]} : vector<256x2048xf32> to vector<256x128xf32>
    %slice3A_21 = vector.extract_strided_slice %get3A_3 {offsets = [0, 1536], sizes = [256, 128], strides = [1, 1]} : vector<256x2048xf32> to vector<256x128xf32>
    %slice3A_22 = vector.extract_strided_slice %get3A_3 {offsets = [0, 1664], sizes = [256, 128], strides = [1, 1]} : vector<256x2048xf32> to vector<256x128xf32>
    %slice3A_23 = vector.extract_strided_slice %get3A_3 {offsets = [0, 1792], sizes = [256, 128], strides = [1, 1]} : vector<256x2048xf32> to vector<256x128xf32>
    %slice3A_24 = vector.extract_strided_slice %get3A_3 {offsets = [0, 1920], sizes = [256, 128], strides = [1, 1]} : vector<256x2048xf32> to vector<256x128xf32>
    %max3A = arith.maximumf %slice3A, %slice3A_10 : vector<256x128xf32>
    %min3A = arith.minimumf %slice3A, %slice3A_10 : vector<256x128xf32>
    %max3A_25 = arith.maximumf %slice3A_11, %slice3A_12 : vector<256x128xf32>
    %min3A_26 = arith.minimumf %slice3A_11, %slice3A_12 : vector<256x128xf32>
    %max3A_27 = arith.maximumf %max3A, %max3A_25 : vector<256x128xf32>
    %min3A_28 = arith.minimumf %max3A, %max3A_25 : vector<256x128xf32>
    %max3A_29 = arith.maximumf %min3A, %min3A_26 : vector<256x128xf32>
    %min3A_30 = arith.minimumf %min3A, %min3A_26 : vector<256x128xf32>
    %max3A_31 = arith.maximumf %max3A_29, %min3A_28 : vector<256x128xf32>
    %min3A_32 = arith.minimumf %max3A_29, %min3A_28 : vector<256x128xf32>
    %max3A_33 = arith.maximumf %slice3A_13, %slice3A_14 : vector<256x128xf32>
    %min3A_34 = arith.minimumf %slice3A_13, %slice3A_14 : vector<256x128xf32>
    %max3A_35 = arith.maximumf %slice3A_15, %slice3A_16 : vector<256x128xf32>
    %min3A_36 = arith.minimumf %slice3A_15, %slice3A_16 : vector<256x128xf32>
    %max3A_37 = arith.maximumf %max3A_33, %max3A_35 : vector<256x128xf32>
    %min3A_38 = arith.minimumf %max3A_33, %max3A_35 : vector<256x128xf32>
    %max3A_39 = arith.maximumf %min3A_34, %min3A_36 : vector<256x128xf32>
    %min3A_40 = arith.minimumf %min3A_34, %min3A_36 : vector<256x128xf32>
    %max3A_41 = arith.maximumf %max3A_39, %min3A_38 : vector<256x128xf32>
    %min3A_42 = arith.minimumf %max3A_39, %min3A_38 : vector<256x128xf32>
    %max3A_43 = arith.maximumf %max3A_27, %max3A_37 : vector<256x128xf32>
    %min3A_44 = arith.minimumf %max3A_27, %max3A_37 : vector<256x128xf32>
    %max3A_45 = arith.maximumf %min3A_32, %min3A_42 : vector<256x128xf32>
    %min3A_46 = arith.minimumf %min3A_32, %min3A_42 : vector<256x128xf32>
    %max3A_47 = arith.maximumf %max3A_45, %min3A_44 : vector<256x128xf32>
    %min3A_48 = arith.minimumf %max3A_45, %min3A_44 : vector<256x128xf32>
    %max3A_49 = arith.maximumf %max3A_31, %max3A_41 : vector<256x128xf32>
    %min3A_50 = arith.minimumf %max3A_31, %max3A_41 : vector<256x128xf32>
    %max3A_51 = arith.maximumf %min3A_30, %min3A_40 : vector<256x128xf32>
    %max3A_52 = arith.maximumf %max3A_51, %min3A_50 : vector<256x128xf32>
    %min3A_53 = arith.minimumf %max3A_51, %min3A_50 : vector<256x128xf32>
    %max3A_54 = arith.maximumf %max3A_49, %max3A_47 : vector<256x128xf32>
    %min3A_55 = arith.minimumf %max3A_49, %max3A_47 : vector<256x128xf32>
    %max3A_56 = arith.maximumf %max3A_52, %min3A_48 : vector<256x128xf32>
    %min3A_57 = arith.minimumf %max3A_52, %min3A_48 : vector<256x128xf32>
    %max3A_58 = arith.maximumf %min3A_53, %min3A_46 : vector<256x128xf32>
    %max3A_59 = arith.maximumf %slice3A_17, %slice3A_18 : vector<256x128xf32>
    %min3A_60 = arith.minimumf %slice3A_17, %slice3A_18 : vector<256x128xf32>
    %max3A_61 = arith.maximumf %slice3A_19, %slice3A_20 : vector<256x128xf32>
    %min3A_62 = arith.minimumf %slice3A_19, %slice3A_20 : vector<256x128xf32>
    %max3A_63 = arith.maximumf %max3A_59, %max3A_61 : vector<256x128xf32>
    %min3A_64 = arith.minimumf %max3A_59, %max3A_61 : vector<256x128xf32>
    %max3A_65 = arith.maximumf %min3A_60, %min3A_62 : vector<256x128xf32>
    %min3A_66 = arith.minimumf %min3A_60, %min3A_62 : vector<256x128xf32>
    %max3A_67 = arith.maximumf %max3A_65, %min3A_64 : vector<256x128xf32>
    %min3A_68 = arith.minimumf %max3A_65, %min3A_64 : vector<256x128xf32>
    %max3A_69 = arith.maximumf %slice3A_21, %slice3A_22 : vector<256x128xf32>
    %min3A_70 = arith.minimumf %slice3A_21, %slice3A_22 : vector<256x128xf32>
    %max3A_71 = arith.maximumf %slice3A_23, %slice3A_24 : vector<256x128xf32>
    %min3A_72 = arith.minimumf %slice3A_23, %slice3A_24 : vector<256x128xf32>
    %max3A_73 = arith.maximumf %max3A_69, %max3A_71 : vector<256x128xf32>
    %min3A_74 = arith.minimumf %max3A_69, %max3A_71 : vector<256x128xf32>
    %max3A_75 = arith.maximumf %min3A_70, %min3A_72 : vector<256x128xf32>
    %min3A_76 = arith.minimumf %min3A_70, %min3A_72 : vector<256x128xf32>
    %max3A_77 = arith.maximumf %max3A_75, %min3A_74 : vector<256x128xf32>
    %min3A_78 = arith.minimumf %max3A_75, %min3A_74 : vector<256x128xf32>
    %max3A_79 = arith.maximumf %max3A_63, %max3A_73 : vector<256x128xf32>
    %min3A_80 = arith.minimumf %max3A_63, %max3A_73 : vector<256x128xf32>
    %max3A_81 = arith.maximumf %min3A_68, %min3A_78 : vector<256x128xf32>
    %min3A_82 = arith.minimumf %min3A_68, %min3A_78 : vector<256x128xf32>
    %max3A_83 = arith.maximumf %max3A_81, %min3A_80 : vector<256x128xf32>
    %min3A_84 = arith.minimumf %max3A_81, %min3A_80 : vector<256x128xf32>
    %max3A_85 = arith.maximumf %max3A_67, %max3A_77 : vector<256x128xf32>
    %min3A_86 = arith.minimumf %max3A_67, %max3A_77 : vector<256x128xf32>
    %max3A_87 = arith.maximumf %min3A_66, %min3A_76 : vector<256x128xf32>
    %max3A_88 = arith.maximumf %max3A_87, %min3A_86 : vector<256x128xf32>
    %min3A_89 = arith.minimumf %max3A_87, %min3A_86 : vector<256x128xf32>
    %max3A_90 = arith.maximumf %max3A_85, %max3A_83 : vector<256x128xf32>
    %min3A_91 = arith.minimumf %max3A_85, %max3A_83 : vector<256x128xf32>
    %max3A_92 = arith.maximumf %max3A_88, %min3A_84 : vector<256x128xf32>
    %min3A_93 = arith.minimumf %max3A_88, %min3A_84 : vector<256x128xf32>
    %max3A_94 = arith.maximumf %min3A_89, %min3A_82 : vector<256x128xf32>
    %max3A_95 = arith.maximumf %max3A_43, %max3A_79 : vector<256x128xf32>
    %min3A_96 = arith.minimumf %max3A_43, %max3A_79 : vector<256x128xf32>
    %max3A_97 = arith.maximumf %min3A_57, %min3A_93 : vector<256x128xf32>
    %max3A_98 = arith.maximumf %max3A_97, %min3A_96 : vector<256x128xf32>
    %max3A_99 = arith.maximumf %min3A_55, %min3A_91 : vector<256x128xf32>
    %max3A_100 = arith.maximumf %max3A_99, %max3A_98 : vector<256x128xf32>
    %min3A_101 = arith.minimumf %max3A_99, %max3A_98 : vector<256x128xf32>
    %max3A_102 = arith.maximumf %max3A_54, %max3A_90 : vector<256x128xf32>
    %min3A_103 = arith.minimumf %max3A_54, %max3A_90 : vector<256x128xf32>
    %max3A_104 = arith.maximumf %max3A_58, %max3A_94 : vector<256x128xf32>
    %max3A_105 = arith.maximumf %max3A_104, %min3A_103 : vector<256x128xf32>
    %max3A_106 = arith.maximumf %max3A_56, %max3A_92 : vector<256x128xf32>
    %max3A_107 = arith.maximumf %max3A_106, %max3A_105 : vector<256x128xf32>
    %max3A_108 = arith.maximumf %max3A_102, %max3A_100 : vector<256x128xf32>
    %min3A_109 = arith.minimumf %max3A_102, %max3A_100 : vector<256x128xf32>
    %max3A_110 = arith.maximumf %max3A_107, %min3A_101 : vector<256x128xf32>
    %min3A_111 = arith.minimumf %max3A_107, %min3A_101 : vector<256x128xf32>
    %concatenate3A = tpu.concatenate %max3A_95, %max3A_108, %min3A_109, %max3A_110, %min3A_111 in 1 : vector<256x128xf32>, vector<256x128xf32>, vector<256x128xf32>, vector<256x128xf32>, vector<256x128xf32> -> vector<256x640xf32>
    %scan3A = arith.constant 0 : i32
    %scan3A_112 = arith.constant 30 : i32
    %scan3A_113 = arith.addi %scan3A, %scan3A_112 : i32
    %scan3A_114 = arith.constant 1 : i32
    %scan3A_115:2 = scf.for %scan3A_175 = %scan3A to %scan3A_113 step %scan3A_114 iter_args(%scan3A_176 = %concatenate3A, %scan3A_177 = %reshape3A) -> (vector<256x640xf32>, vector<256x1xf32>)  : i32 {
      %reduce_max3A = arith.constant dense<0xFF800000> : vector<256xf32>
      %reduce_max3A_178 = vector.multi_reduction <maximumf>, %scan3A_176, %reduce_max3A [1] : vector<256x640xf32> to vector<256xf32>
      %broadcast_in_dim3A_179 = vector.shape_cast %reduce_max3A_178 : vector<256xf32> to vector<256x1xf32>
      %ge3A_180 = vector.broadcast %broadcast_in_dim3A_179 : vector<256x1xf32> to vector<256x640xf32>
      %ge3A_181 = arith.cmpf oge, %scan3A_176, %ge3A_180 : vector<256x640xf32>
      %jit3A_182 = arith.constant 0xFF800000 : f32
      %broadcast_in_dim3A_183 = vector.broadcast %jit3A_182 : f32 to vector<256x640xf32>
      %select_n3A_184 = arith.select %ge3A_181, %broadcast_in_dim3A_183, %scan3A_176 : vector<256x640xi1>, vector<256x640xf32>
      scf.yield %select_n3A_184, %broadcast_in_dim3A_179 : vector<256x640xf32>, vector<256x1xf32>
    }
    %gt3A = vector.broadcast %scan3A_115#1 : vector<256x1xf32> to vector<256x2048xf32>
    %gt3A_116 = arith.cmpf ogt, %get3A_3, %gt3A : vector<256x2048xf32>
    %convert_element_type3A = arith.extui %gt3A_116 : vector<256x2048xi1> to vector<256x2048xi32>
    %convert_element_type3A_117 = arith.sitofp %convert_element_type3A : vector<256x2048xi32> to vector<256x2048xf32>
    %reduce_sum3A = arith.constant dense<0.000000e+00> : vector<256xf32>
    %reduce_sum3A_118 = vector.multi_reduction <add>, %convert_element_type3A_117, %reduce_sum3A [1] : vector<256x2048xf32> to vector<256xf32>
    %broadcast_in_dim3A = vector.shape_cast %reduce_sum3A_118 : vector<256xf32> to vector<256x1xf32>
    %ge3A = vector.broadcast %scan3A_115#1 : vector<256x1xf32> to vector<256x2048xf32>
    %ge3A_119 = arith.cmpf oge, %get3A_3, %ge3A : vector<256x2048xf32>
    %convert_element_type3A_120 = arith.extui %ge3A_119 : vector<256x2048xi1> to vector<256x2048xi32>
    %convert_element_type3A_121 = arith.sitofp %convert_element_type3A_120 : vector<256x2048xi32> to vector<256x2048xf32>
    %reduce_sum3A_122 = arith.constant dense<0.000000e+00> : vector<256xf32>
    %reduce_sum3A_123 = vector.multi_reduction <add>, %convert_element_type3A_121, %reduce_sum3A_122 [1] : vector<256x2048xf32> to vector<256xf32>
    %broadcast_in_dim3A_124 = vector.shape_cast %reduce_sum3A_123 : vector<256xf32> to vector<256x1xf32>
    %lt3A = arith.constant 3.000000e+01 : f32
    %lt3A_125 = vector.broadcast %lt3A : f32 to vector<256x1xf32>
    %lt3A_126 = arith.cmpf olt, %broadcast_in_dim3A, %lt3A_125 : vector<256x1xf32>
    %ge3A_127 = arith.constant 3.000000e+01 : f32
    %ge3A_128 = vector.broadcast %ge3A_127 : f32 to vector<256x1xf32>
    %ge3A_129 = arith.cmpf oge, %broadcast_in_dim3A_124, %ge3A_128 : vector<256x1xf32>
    %and3A = arith.andi %lt3A_126, %ge3A_129 : vector<256x1xi1>
    %swap3A = arith.constant 0 : index
    %swap3A_130 = arith.constant 0 : index
    %swap3A_131 = vector.load %arg7[%swap3A, %swap3A_130] : memref<256x1xf32, #tpu.memory_space<vmem>>, vector<256x1xf32>
    tpu.vector_store %arg7[%swap3A, %swap3A_130], %scan3A_115#1 {strides = array<i32>} : memref<256x1xf32, #tpu.memory_space<vmem>>, vector<256x1xf32>,
    %reduce_and3A = arith.constant 1.000000e+00 : f32
    %reduce_and3A_132 = arith.constant 0.000000e+00 : f32
    %reduce_and3A_133 = vector.broadcast %reduce_and3A : f32 to vector<256x1xf32>
    %reduce_and3A_134 = vector.broadcast %reduce_and3A_132 : f32 to vector<256x1xf32>
    %reduce_and3A_135 = arith.select %and3A, %reduce_and3A_133, %reduce_and3A_134 : vector<256x1xi1>, vector<256x1xf32>
    %reduce_and3A_136 = vector.shape_cast %reduce_and3A_135 : vector<256x1xf32> to vector<1x256x1xf32>
    %reduce_and3A_137 = arith.constant dense<0x7F800000> : vector<1xf32>
    %reduce_and3A_138 = vector.multi_reduction <minimumf>, %reduce_and3A_136, %reduce_and3A_137 [1, 2] : vector<1x256x1xf32> to vector<1xf32>
    %reduce_and3A_139 = vector.shape_cast %reduce_and3A_138 : vector<1xf32> to vector<1x1x1xf32>
    %reduce_and3A_140 = vector.extract %reduce_and3A_139[0, 0, 0] : f32 from vector<1x1x1xf32>
    %reduce_and3A_141 = arith.constant 0.000000e+00 : f32
    %reduce_and3A_142 = arith.cmpf ogt, %reduce_and3A_140, %reduce_and3A_141 : f32
    %not3A = arith.constant true
    %not3A_143 = arith.xori %reduce_and3A_142, %not3A : i1
    %convert_element_type3A_144 = arith.extui %not3A_143 : i1 to i32
    %cond3A = arith.constant 0 : i32
    %cond3A_145 = arith.cmpi ne, %convert_element_type3A_144, %cond3A : i32
    scf.if %cond3A_145 {
      %scan3A_175 = arith.constant 0 : i32
      %scan3A_176 = arith.constant 30 : i32
      %scan3A_177 = arith.addi %scan3A_175, %scan3A_176 : i32
      %scan3A_178 = arith.constant 1 : i32
      %scan3A_179:2 = scf.for %scan3A_183 = %scan3A_175 to %scan3A_177 step %scan3A_178 iter_args(%scan3A_184 = %get3A_3, %scan3A_185 = %reshape3A) -> (vector<256x2048xf32>, vector<256x1xf32>)  : i32 {
        %reduce_max3A = arith.constant dense<0xFF800000> : vector<256xf32>
        %reduce_max3A_186 = vector.multi_reduction <maximumf>, %scan3A_184, %reduce_max3A [1] : vector<256x2048xf32> to vector<256xf32>
        %broadcast_in_dim3A_187 = vector.shape_cast %reduce_max3A_186 : vector<256xf32> to vector<256x1xf32>
        %ge3A_188 = vector.broadcast %broadcast_in_dim3A_187 : vector<256x1xf32> to vector<256x2048xf32>
        %ge3A_189 = arith.cmpf oge, %scan3A_184, %ge3A_188 : vector<256x2048xf32>
        %jit3A_190 = arith.constant 0xFF800000 : f32
        %broadcast_in_dim3A_191 = vector.broadcast %jit3A_190 : f32 to vector<256x2048xf32>
        %select_n3A_192 = arith.select %ge3A_189, %broadcast_in_dim3A_191, %scan3A_184 : vector<256x2048xi1>, vector<256x2048xf32>
        scf.yield %select_n3A_192, %broadcast_in_dim3A_187 : vector<256x2048xf32>, vector<256x1xf32>
      }
      %swap3A_180 = arith.constant 0 : index
      %swap3A_181 = arith.constant 0 : index
      %swap3A_182 = vector.load %arg7[%swap3A_180, %swap3A_181] : memref<256x1xf32, #tpu.memory_space<vmem>>, vector<256x1xf32>
      tpu.vector_store %arg7[%swap3A_180, %swap3A_181], %scan3A_179#1 {strides = array<i32>} : memref<256x1xf32, #tpu.memory_space<vmem>>, vector<256x1xf32>,
    } else {
    }
    %get3A_146 = arith.constant 0 : index
    %get3A_147 = arith.constant 0 : index
    %get3A_148 = vector.load %arg7[%get3A_146, %get3A_147] : memref<256x1xf32, #tpu.memory_space<vmem>>, vector<256x1xf32>
    %ge3A_149 = vector.broadcast %get3A_148 : vector<256x1xf32> to vector<256x2048xf32>
    %ge3A_150 = arith.cmpf oge, %get3A_3, %ge3A_149 : vector<256x2048xf32>
    %sub3A = vector.broadcast %reshape3A : vector<256x1xf32> to vector<256x2048xf32>
    %sub3A_151 = arith.subf %get3A_3, %sub3A : vector<256x2048xf32>
    %exp3A = math.exp %sub3A_151 : vector<256x2048xf32>
    %jit3A = arith.constant 0.000000e+00 : f32
    %broadcast_in_dim3A_152 = vector.broadcast %jit3A : f32 to vector<256x2048xf32>
    %select_n3A = arith.select %ge3A_150, %exp3A, %broadcast_in_dim3A_152 : vector<256x2048xi1>, vector<256x2048xf32>
    %reduce_sum3A_153 = arith.constant dense<0.000000e+00> : vector<256xf32>
    %reduce_sum3A_154 = vector.multi_reduction <add>, %select_n3A, %reduce_sum3A_153 [1] : vector<256x2048xf32> to vector<256xf32>
    %broadcast_in_dim3A_155 = vector.shape_cast %reduce_sum3A_154 : vector<256xf32> to vector<256x1xf32>
    %div3A = vector.broadcast %broadcast_in_dim3A_155 : vector<256x1xf32> to vector<256x2048xf32>
    %div3A_156 = arith.divf %select_n3A, %div3A : vector<256x2048xf32>
    %swap3A_157 = arith.constant 0 : index
    %swap3A_158 = arith.constant 0 : index
    %swap3A_159 = arith.constant 0 : index
    %swap3A_160 = vector.load %arg5[%swap3A_157, %swap3A_158, %swap3A_159] : memref<1x256x2048xf32, #tpu.memory_space<vmem>>, vector<1x256x2048xf32>
    %swap3A_161 = vector.shape_cast %swap3A_160 : vector<1x256x2048xf32> to vector<256x2048xf32>
    %swap3A_162 = vector.shape_cast %div3A_156 : vector<256x2048xf32> to vector<1x256x2048xf32>
    tpu.vector_store %arg5[%swap3A_157, %swap3A_158, %swap3A_159], %swap3A_162 {strides = array<i32>} : memref<1x256x2048xf32, #tpu.memory_space<vmem>>, vector<1x256x2048xf32>,
    %get3A_163 = arith.constant 0 : index
    %get3A_164 = arith.constant 0 : index
    %get3A_165 = arith.constant 0 : index
    %get3A_166 = vector.load %arg4[%get3A_163, %get3A_164, %get3A_165] : memref<1x2048x64xf32, #tpu.memory_space<vmem>>, vector<1x2048x64xf32>
    %get3A_167 = vector.shape_cast %get3A_166 : vector<1x2048x64xf32> to vector<2048x64xf32>
    %dot_general3A = arith.constant dense<0.000000e+00> : vector<256x64xf32>
    %dot_general3A_168 = tpu.matmul %div3A_156, %get3A_167, %dot_general3A {dimension_numbers = #tpu.dot_dimension_numbers<[1], [0], [0], [1], [0, 0, 1, 1], [], []>, transpose_lhs_hint = false} : vector<256x2048xf32>, vector<2048x64xf32>, vector<256x64xf32> -> vector<256x64xf32>
    %swap3A_169 = arith.constant 0 : index
    %swap3A_170 = arith.constant 0 : index
    %swap3A_171 = arith.constant 0 : index
    %swap3A_172 = vector.load %arg6[%swap3A_169, %swap3A_170, %swap3A_171] : memref<1x256x64xf32, #tpu.memory_space<vmem>>, vector<1x256x64xf32>
    %swap3A_173 = vector.shape_cast %swap3A_172 : vector<1x256x64xf32> to vector<256x64xf32>
    %swap3A_174 = vector.shape_cast %dot_general3A_168 : vector<256x64xf32> to vector<1x256x64xf32>
    tpu.vector_store %arg6[%swap3A_169, %swap3A_170, %swap3A_171], %swap3A_174 {strides = array<i32>} : memref<1x256x64xf32, #tpu.memory_space<vmem>>, vector<1x256x64xf32>,
    return
  }
  func.func @transform_0(%arg0: i32, %arg1: i32) -> (i32, i32, i32) {
    %c0_i32 = arith.constant 0 : i32
    %c0_i32_0 = arith.constant 0 : i32
    return %arg0, %arg1, %c0_i32 : i32, i32, i32
  }
  func.func @transform_1(%arg0: i32, %arg1: i32) -> (i32, i32, i32, i32) {
    %c0_i32 = arith.constant 0 : i32
    %c0_i32_0 = arith.constant 0 : i32
    %c0_i32_1 = arith.constant 0 : i32
    return %arg0, %arg1, %c0_i32, %c0_i32_0 : i32, i32, i32, i32
  }
  func.func @transform_2(%arg0: i32, %arg1: i32) -> (i32, i32, i32) {
    %c0_i32 = arith.constant 0 : i32
    %c0_i32_0 = arith.constant 0 : i32
    %c0_i32_1 = arith.constant 0 : i32
    return %arg0, %c0_i32, %c0_i32_0 : i32, i32, i32
  }
  func.func @transform_3(%arg0: i32, %arg1: i32) -> (i32, i32, i32) {
    %c0_i32 = arith.constant 0 : i32
    %c0_i32_0 = arith.constant 0 : i32
    return %arg0, %arg1, %c0_i32 : i32, i32, i32
  }
  func.func @transform_4(%arg0: i32, %arg1: i32) -> (i32, i32, i32) {
    %c0_i32 = arith.constant 0 : i32
    %c0_i32_0 = arith.constant 0 : i32
    return %arg0, %arg1, %c0_i32 : i32, i32, i32
  }
}

</mosaic_0001>

<sc_bundles>
// kernel: _run.5.cloned.1.call-start
scs
__scs_entry_jumppad:
0x0: {  	(pc) =	sbr.rel $0x88, $3  }
0x1: {  	(tag) =	ssettag $0x0;
	lr =	simm.s32 $0x1  }
0x2: {  	[smem:$0x3F9E] =	sst lr;
	_ =	strace $0xD0000000  }
0x3: {  	_ = 	snop  }
0x4: {  	_ = 	snop  }
0x5: {  	_ = 	snop  }
0x6: {  	_ = 	snop  }
0x7: {  	_ = 	snop  }
__scs_overlays_trampoline_lowered:
0x8: {  	[smem:$0x3FAD] =	sst s0  }
0x9: {  	[smem:$0x3FAE] =	sst s1  }
0xa: {  	[smem:$0x3FAF] =	sst s2  }
0xb: {  	[smem:$0x3FB0] =	sst s3  }
0xc: {  	[smem:$0x3FB1] =	sst s4  }
0xd: {  	[smem:$0x3FB2] =	sst s5  }
0xe: {  	[smem:$0x3FB3] =	sst s6  }
0xf: {  	[smem:$0x3FB4] =	sst s7  }
0x10: {  	[smem:$0x3FB5] =	sst s8  }
0x11: {  	[smem:$0x3FB6] =	sst s9;
	s0 =	simm.s32 @!p0 $0x0  }
0x12: {  	s1 =	sld [smem:$0x3F9C];
	s0 =	simm.s32 @p0 $0x1  }
0x13: {  	[smem:$0x3FB7] =	sst s0;
	s0 =	simm.s32 @!p1 $0x0  }
0x14: {  	s2 =	sld [smem:$0x3F9B];
	s0 =	simm.s32 @p1 $0x1  }
0x15: {  	[smem:$0x3FB8] =	sst s0;
	s0 =	simm.s32 @!p2 $0x0  }
0x16: {  	s3 =	sld [smem:$0x3FDB];
	s0 =	simm.s32 @p2 $0x1  }
0x17: {  	s4 =	simm.s32 $0x1BF5;
	[smem:$0x3FBA] =	sst s0  }
0x18: {  	s0 =	sld [smem:$0x3F9D];
	_ =	swait.ge [sflag:s4], $0x0  }
0x19: {  	s7 =	sld [smem:$0x3F9E]  }
0x1a: {  	s8 =	sadd.s32 $0xFFFFE003, lr  }
0x1b: {  	s9 =	sadd.s32 $0xFFFFFEF7, lr;
	s5 =	simm.s32 $0xFFFFFFFF;
	p2 =	slt.u32 s8, $0xFFFFF086  }
0x1c: {  	p1 =	slt.u32 s9, $0xF7A;
	s5 =	simm.s32 @!p2 $0x0  }
0x1d: {  	s5 =	simm.s32 @p1 $0x1;
	p0 =	seq.s32 s7, s2  }
0x1e: {  	s7 =	smul.u32 @!p0 $0xF7A, s2;
	p2 =	seq.s32 @!p0 s5, $0x0  }
0x1f: {  	s9 =	smul.u32 $0xF7A, s1;
	s8 =	simm.s32 @!p0 $0x1BF5;
	p2 =	por !p2, p0  }
0x20: {  	[sflag:s8] =	ssyncset.s32 @!p0 $0xFFFFF086;
	s6 =	sadd.s32 @!p0 s3, s7;
	s7 =	simm.s32 @!p0 $0x108  }
0x21: {  	s3 =	sadd.s32 s3, s9;
	s6 =	sadd.s32 @!p0 $0x88, s6;
	s7 =	simm.s32 @p2 $0x1082  }
0x22: {  	[simem:s7], [sflag:s8] =	dma.local @!p0 [hbm:s6], $0xF7A  }
0x23: {  	s9 =	sor.u32 $0xD0000000, s2;
	s6 =	simm.s32 $0x108;
	_ =	swait.ge @!p0 [sflag:s8], $0x0  }
0x24: {  	s3 =	sadd.s32 $0x88, s3;
	s6 =	simm.s32 @!p1 $0x1082;
	[sflag:s4] =	ssyncset.s32 $0xFFFFF086  }
0x25: {  	[simem:s6], [sflag:s4] =	dma.local [hbm:s3], $0xF7A  }
0x26: {  	[smem:$0x3F9E] =	sst s1;
	(tag) =	ssettag s2;
	_ =	strace s9  }
0x27: {  	s1 =	sld [smem:$0x3FAE]  }
0x28: {  	s2 =	sld [smem:$0x3FAF]  }
0x29: {  	s4 =	sld [smem:$0x3FB1]  }
0x2a: {  	p0 =	seq.s32 s5, $0x0;
	s5 =	sld [smem:$0x3FB2]  }
0x2b: {  	s6 =	sld [smem:$0x3FB3]  }
0x2c: {  	s7 =	sld [smem:$0x3FB4]  }
0x2d: {  	s3 =	simm.s32 $0x108;
	s8 =	sld [smem:$0x3FB5]  }
0x2e: {  	s3 =	simm.s32 @!p0 $0x1082;
	s9 =	sld [smem:$0x3FB6]  }
0x2f: {  	lr =	sadd.s32 s0, s3;
	s0 =	sld [smem:$0x3FAD]  }
0x30: {  	s3 =	sld [smem:$0x3FB0]  }
0x31: {  	[smem:$0x3FB9] =	sst s10  }
0x32: {  	s10 =	sld [smem:$0x3FB7];
	_ =	sdelay $0x3  }
0x33: {  	p0 =	seq.s32 s10, $0x1;
	s10 =	sld [smem:$0x3FB9];
	_ =	sdelay $0x3  }
0x34: {  	[smem:$0x3FB9] =	sst s10  }
0x35: {  	s10 =	sld [smem:$0x3FB8];
	_ =	sdelay $0x3  }
0x36: {  	p1 =	seq.s32 s10, $0x1;
	s10 =	sld [smem:$0x3FB9];
	_ =	sdelay $0x3  }
0x37: {  	[smem:$0x3FB9] =	sst s10  }
0x38: {  	s10 =	sld [smem:$0x3FBA]  }
0x39: {  	_ = 	snop;
	(pc) =	sbr.ind lr, $3  }
0x3a: {  	_ = 	snop  }
0x3b: {  	_ = 	snop  }
0x3c: {  	p2 =	seq.s32 s10, $0x1;
	s10 =	sld [smem:$0x3FB9]  }
0x3d: {  	_ =	shalt  }
0x3e: {  	_ =	shalt  }
0x3f: {  	_ =	shalt  }
0x40: {  	_ =	shalt  }
0x41: {  	_ =	shalt  }
0x42: {  	_ =	shalt  }
0x43: {  	_ =	shalt  }
0x44: {  	_ =	shalt  }
0x45: {  	_ =	shalt  }
0x46: {  	_ =	shalt  }
0x47: {  	_ =	shalt  }
0x48: {  	_ =	shalt  }
0x49: {  	_ =	shalt  }
0x4a: {  	_ =	shalt  }
0x4b: {  	_ =	shalt  }
0x4c: {  	_ =	shalt  }
0x4d: {  	_ =	shalt  }
0x4e: {  	_ =	shalt  }
0x4f: {  	_ =	shalt  }
0x50: {  	_ =	shalt  }
0x51: {  	_ =	shalt  }
0x52: {  	_ =	shalt  }
0x53: {  	_ =	shalt  }
0x54: {  	_ =	shalt  }
0x55: {  	_ =	shalt  }
0x56: {  	_ =	shalt  }
0x57: {  	_ =	shalt  }
0x58: {  	_ =	shalt  }
0x59: {  	_ =	shalt  }
0x5a: {  	_ =	shalt  }
0x5b: {  	_ =	shalt  }
0x5c: {  	_ =	shalt  }
0x5d: {  	_ =	shalt  }
0x5e: {  	_ =	shalt  }
0x5f: {  	_ =	shalt  }
0x60: {  	_ =	shalt  }
0x61: {  	_ =	shalt  }
0x62: {  	_ =	shalt  }
0x63: {  	_ =	shalt  }
0x64: {  	_ =	shalt  }
0x65: {  	_ =	shalt  }
0x66: {  	_ =	shalt  }
0x67: {  	_ =	shalt  }
0x68: {  	_ =	shalt  }
0x69: {  	_ =	shalt  }
0x6a: {  	_ =	shalt  }
0x6b: {  	_ =	shalt  }
0x6c: {  	_ =	shalt  }
0x6d: {  	_ =	shalt  }
0x6e: {  	_ =	shalt  }
0x6f: {  	_ =	shalt  }
0x70: {  	_ =	shalt  }
0x71: {  	_ =	shalt  }
0x72: {  	_ =	shalt  }
0x73: {  	_ =	shalt  }
0x74: {  	_ =	shalt  }
0x75: {  	_ =	shalt  }
0x76: {  	_ =	shalt  }
0x77: {  	_ =	shalt  }
0x78: {  	_ =	shalt  }
0x79: {  	_ =	shalt  }
0x7a: {  	_ =	shalt  }
0x7b: {  	_ =	shalt  }
0x7c: {  	_ =	shalt  }
0x7d: {  	_ =	shalt  }
0x7e: {  	_ =	shalt  }
0x7f: {  	_ =	shalt  }
0x80: {  	_ =	shalt  }
0x81: {  	_ =	shalt  }
0x82: {  	_ =	shalt  }
0x83: {  	_ =	shalt  }
0x84: {  	_ =	shalt  }
0x85: {  	_ =	shalt  }
0x86: {  	_ =	shalt  }
0x87: {  	_ =	shalt  }
.Lfunc_end0:
.L_simem_size_0:
called_computation_lowered:
.L_overlay_start_0:
0x88: {  	s2 =	sld [smem:$0x3FD9]  }
0x89: {  	s3 =	sld [smem:$0x3FFE];
	_ =	sdelay $0x1  }
0x8a: {  	s1 =	srdreg.scid  }
0x8b: {  	s0 =	sand.u32 $0x1, s1  }
0x8c: {  	s14 =	sshll.u32 s0, $0xA;
	s2 =	sadd.s32 s3, s2  }
0x8d: {  	s2 =	sadd.s32 s2, s14  }
0x8e: {  	[smem:$0x3FC5] =	sst s2  }
0x8f: {  	_ = 	snop  }
0x90: {  	s2 =	sld [smem:$0x3FD0];
	_ =	sdelay $0x2  }
0x91: {  	s15 =	simm.s32 $0xA;
	s4 =	simm.s32 $0x10  }
0x92: {  	[smem:s4], [sflag:s15] =	dma.local [hbm:s2], $0x1  }
0x93: {  	_ =	swait.eq [sflag:s15], $0x1  }
0x94: {  	[sflag:s15] =	ssyncset.done $0x0  }
0x95: {  	[sflag:s15] =	ssyncadd.s32 $0xFFFFFFFF  }
0x96: {  	s16 =	sld [smem:$0x10];
	(tm) =	ssettm $0x1  }
0x97: {  	s17 =	sld [smem:$0x3FFB];
	_ =	sdelay $0x3  }
0x98: {  	_ =	strace s17  }
0x99: {  	s3 =	sld [smem:$0x3FFC];
	_ =	sdelay $0x3  }
0x9a: {  	_ =	strace s3  }
0x9b: {  	s3 =	sld [smem:$0x3FFD];
	_ =	sdelay $0x3  }
0x9c: {  	_ =	strace s3  }
0x9d: {  	_ =	strace $0x8FFFFFFF  }
0x9e: {  	s18 =	sld [smem:$0x3FDB];
	_ =	sdelay $0x1  }
0x9f: {  	s19 =	simm.s32 $_scs_section_size  }
0xa0: {  	s5 =	simm.s32 $_size__tile_overlayer_lowered;
	s6 =	simm.s32 $_tile_overlayer_lowered  }
0xa1: {  	s22 =	simm.s32 $0x1BFF;
	s21 =	sshll.u32 s6, $0x1;
	s3 =	sadd.s32 s19, s18  }
0xa2: {  	s7 =	simm.s32 $0x0;
	s20 =	sshll.u32 s5, $0x1;
	s5 =	sadd.s32 s21, s3  }
0xa3: {  	[timem:s7], [sflag:s22] =	dma.local [hbm:s5], s20  }
0xa4: {  	_ =	swait.ge [sflag:s22], s20  }
0xa5: {  	s4 =	ssub.s32 $0x0, s20;
	[sflag:s22] =	ssyncset.done $0x0  }
0xa6: {  	[sflag:s22] =	ssyncadd.s32 s4;
	_ =	sdelay $0x1  }
0xa7: {  	s23 =	simm.s32 $0x1B8B  }
0xa8: {  	_ =	swait.ge [sflag:s23], $0x1  }
0xa9: {  	[sflag:s23] =	ssyncset.done $0x0  }
0xaa: {  	s25 =	simm.s32 $0x1B8E;
	s24 =	sld [smem:$0x3FFE];
	[sflag:s23] =	ssyncadd.s32 $0xFFFFFFFF  }
0xab: {  	s26 =	simm.s32 $execute0_lowered;
	[smem:$0x3FD2] =	sst s25  }
0xac: {  	s5 =	sshll.u32 s26, $0x1;
	_ =	strace $0x80000046;
	[dreg:$0x1] =	wrdreg $0xFFFFFFFF  }
0xad: {  	s28 =	simm.s32 $_size_execute0_lowered;
	s3 =	sadd.s32 s3, s5;
	[dreg:$0x0] =	wrdreg $0x0  }
0xae: {  	s5 =	sshll.u32 s28, $0x1;
	[dreg:$0x2] =	wrdreg s3  }
0xaf: {  	[dreg:$0x3] =	wrdreg s5  }
0xb0: {  	[dreg:$0x4] =	wrdreg $0xC0  }
0xb1: {  	_ =	task [dreg:s7], $0x5FFFF  }
0xb2: {  	[dreg:$0x1] =	wrdreg $0xFFFFFFFF  }
0xb3: {  	[dreg:$0x0] =	wrdreg $0x60  }
0xb4: {  	[dreg:$0x2] =	wrdreg s24  }
0xb5: {  	[dreg:$0x3] =	wrdreg s16  }
0xb6: {  	[dreg:$0x4] =	wrdreg $0x9  }
0xb7: {  	_ =	task.clear_ibuf [dreg:s7], $0x5FFFF;
	_ =	strace $0x90000046  }
0xb8: {  	s29 =	simm.s32 $0x9;
	_ =	strace $0x80000048  }
0xb9: {  	_ =	swait.ge [sflag:s29], $0x1  }
0xba: {  	[sflag:s29] =	ssyncadd.s32 $0xFFFFFFFF  }
0xbb: {  	_ =	strace $0x90000048  }
0xbc: {  	_ =	sfence  }
0xbd: {  	s30 =	sld [smem:$0x0];
	_ =	sdelay $0x2  }
0xbe: {  	s31 =	sshll.u32 s1, $0xD;
	s1 =	sshrl.u32 s1, $0x2  }
0xbf: {  	s3 =	sand.u32 $0x4000, s31;
	s1 =	sadd.s32 s1, s30  }
0xc0: {  	s0 =	sor.u32 s3, s0;
	s1 =	sshll.u32 s1, $0x11  }
0xc1: {  	s0 =	sor.u32 s1, s0  }
0xc2: {  	s0 =	sadd.s32 $0x8F2B, s0  }
0xc3: {  	[sflag:s0] =	ssyncadd.remote.s32 $0x1  }
0xc4: {  	_ =	sfence.sel $0xFFFF  }
0xc5: {  	[dreg:$0x0] =	wrdreg $0xFFFFFFFF;
	(pc) =	sbr.abs _section_cstart, $3  }
0xc6: {  	[dreg:$0x1] =	wrdreg $0xFFFFFFFF  }
0xc7: {  	_ =	task.clear_ibuf [dreg:s7], $0x2FFFF;
	_ =	strace $0x9FFFFFFF  }
0xc8: {  	(tm) =	ssettm $0x7FFFFFFF  }
0xc9: {  	_ =	shalt  }
tec
execute0_lowered:
.L_overlay_start_1:
0x0: {  	(tag) =	ssettag $0x1  }
0x1: {  	s0 =	rddreg [dreg:$0x0]  }
0x2: {  	s1 =	srdreg.scid;
	s2 =	stileid.u32  }
0x3: {  	s6 =	rddreg [dreg:$0x1];
	s1 =	sand.u32 $0x1, s1;
	s3 =	sshll.u32 s2, $0x1  }
0x4: {  	s2 =	simm.s32 $0x0;
	s4 =	sor.u32 s1, s3;
	s1 =	ssub.s32 $0x2, s1  }
0x5: {  	[smem:$0x7FF] =	sst s2;
	s3 =	smul.u32 $0x300, s4;
	s5 =	sshrl.u32 s1, $0x1  }
0x6: {  	_ =	strace $0x80000047;
	s7 =	smul.u32 $0x30000, s4;
	s11 =	ssub.s32 s1, s5  }
0x7: {  	s4 =	sadd.s32 $0x1200, s0;
	s12 =	sshrl.u32 s3, $0x3;
	s0 =	smax.u32 s11, $0x1  }
0x8: {  	s5 =	sadd.s32 s4, s7;
	s1 =	sadd.s32 s6, s12;
	[dreg:$0x4] =	wrdreg s0  }
0x9: {  	s13 =	sadd.s32 $0x80, s5;
	[dreg:$0x3] =	wrdreg s1  }
0xa: {  	s14 =	sadd.s32 $0x100, s5;
	[dreg:$0x5] =	wrdreg s13  }
0xb: {  	s15 =	sadd.s32 $0x180, s5;
	[dreg:$0x6] =	wrdreg s14  }
0xc: {  	s16 =	sadd.s32 $0x200, s5;
	[dreg:$0x7] =	wrdreg s15  }
0xd: {  	s29 =	simm.s32 $0x80;
	s17 =	sadd.s32 $0x280, s5;
	[dreg:$0x8] =	wrdreg s16  }
0xe: {  	s30 =	simm.s32 $0x180;
	s18 =	sadd.s32 $0x300, s5;
	[dreg:$0x9] =	wrdreg s17  }
0xf: {  	s31 =	simm.s32 $0x280;
	s19 =	sadd.s32 $0x380, s5;
	[dreg:$0xa] =	wrdreg s18  }
0x10: {  	v0 =	vimm.s32 $0xEFCDAB89;
	v1 =	vimm.s32 $0x67452301;
	s28 =	simm.s32 $0x980;
	s20 =	sadd.s32 $0x400, s5;
	[dreg:$0xb] =	wrdreg s19  }
0x11: {  	v2 =	vimm.s32 $0xDCFE98BA;
	v3 =	vimm.s32 $0x54761032;
	s8 =	simm.s32 $0xC80;
	s21 =	sadd.s32 $0x480, s5;
	[dreg:$0xc] =	wrdreg s20  }
0x12: {  	v4 =	vimm.s32 $0xBA98FEDC;
	v5 =	vimm.s32 $0x32107654;
	s9 =	simm.s32 $0xD80;
	s22 =	sadd.s32 $0x500, s5;
	[dreg:$0xd] =	wrdreg s21  }
0x13: {  	v6 =	vimm.s32 $0xFEDCBA98;
	v7 =	vimm.s32 $0x76543210;
	s10 =	simm.s32 $0xE80;
	v0 =	vunpack.c.l.s4.s8 v0;
	s23 =	sadd.s32 $0x580, s5;
	[dreg:$0xe] =	wrdreg s22  }
0x14: {  	v1 =	vunpack.c.l.s4.s8 v1;
	v2 =	vunpack.c.l.s4.s8 v2;
	v3 =	vunpack.c.l.s4.s8 v3;
	s7 =	simm.s32 $0xB80;
	s24 =	sadd.s32 $0x600, s5;
	[dreg:$0xf] =	wrdreg s23  }
0x15: {  	v6 =	vunpack.c.l.s4.s8 v6;
	v4 =	vunpack.c.l.s4.s8 v4;
	v5 =	vunpack.c.l.s4.s8 v5;
	s11 =	simm.s32 $0xF80;
	s25 =	sadd.s32 $0x680, s5;
	[dreg:$0x10] =	wrdreg s24  }
0x16: {  	v7 =	vunpack.c.l.s4.s8 v7;
	v0 =	vunpack.c.0.s8.s32 v0;
	v1 =	vunpack.c.0.s8.s32 v1;
	s26 =	sadd.s32 $0x700, s5;
	s0 =	simm.s32 $0x480;
	[dreg:$0x11] =	wrdreg s25  }
0x17: {  	v2 =	vunpack.c.0.s8.s32 v2;
	v3 =	vunpack.c.0.s8.s32 v3;
	v6 =	vunpack.c.0.s8.s32 v6;
	s6 =	simm.s32 $0xA80;
	s12 =	simm.s32 $0x1;
	[dreg:$0x12] =	wrdreg s26  }
0x18: {  	v4 =	vunpack.c.0.s8.s32 v4;
	v5 =	vunpack.c.0.s8.s32 v5;
	v7 =	vunpack.c.0.s8.s32 v7;
	s22 =	sadd.s32 $0x780, s5;
	s1 =	simm.s32 $0x380;
	s23 =	simm.s32 $0x580  }
0x19: {  	v0 =	vcombine.low v1, v0;
	v1 =	vcombine.low v3, v2;
	v6 =	vand.u32 $0xF, v6;
	s24 =	simm.s32 $0x680;
	s25 =	simm.s32 $0x780;
	s26 =	simm.s32 $0x880  }
0x1a: {  	v2 =	vcombine.low v5, v4;
	v3 =	vlaneseq.u32;
	v4 =	vcombine.low v6, v7;
	s13 =	simm.s32 $0x2;
	s14 =	simm.s32 $0x3;
	s15 =	simm.s32 $0x0  }
.LBB2_1:
0x1b: {  	[tilespmem:s2], [sflag:$0x1] =	stream.linear.gather [hbm4b:s5+s2], $0x80, $0x38;
	[tilespmem:$0x1300] =	vst v63  }
0x1c: {  	s16 =	rddreg [dreg:$0x5];
	s17 =	simm.s32 $0x100  }
0x1d: {  	[tilespmem:s17], [sflag:$0x1] =	stream.linear.gather [hbm4b:s16+s2], $0x80, $0x38;
	[tilespmem:$0x1300] =	vst v63  }
0x1e: {  	s20 =	rddreg [dreg:$0x6];
	s21 =	simm.s32 $0x200  }
0x1f: {  	[tilespmem:s21], [sflag:$0x1] =	stream.linear.gather [hbm4b:s20+s2], $0x80, $0x38;
	[tilespmem:$0x1300] =	vst v63  }
0x20: {  	s18 =	rddreg [dreg:$0x7];
	s19 =	simm.s32 $0x300  }
0x21: {  	[tilespmem:s19], [sflag:$0x1] =	stream.linear.gather [hbm4b:s18+s2], $0x80, $0x38;
	[tilespmem:$0x1300] =	vst v63  }
0x22: {  	s20 =	rddreg [dreg:$0x8];
	s21 =	simm.s32 $0x400  }
0x23: {  	[tilespmem:s21], [sflag:$0x1] =	stream.linear.gather [hbm4b:s20+s2], $0x80, $0x38;
	[tilespmem:$0x1300] =	vst v63  }
0x24: {  	s18 =	rddreg [dreg:$0x9];
	s19 =	simm.s32 $0x500  }
0x25: {  	[tilespmem:s19], [sflag:$0x1] =	stream.linear.gather [hbm4b:s18+s2], $0x80, $0x38;
	[tilespmem:$0x1300] =	vst v63  }
0x26: {  	s20 =	rddreg [dreg:$0xa];
	s21 =	simm.s32 $0x600  }
0x27: {  	[tilespmem:s21], [sflag:$0x1] =	stream.linear.gather [hbm4b:s20+s2], $0x80, $0x38;
	[tilespmem:$0x1300] =	vst v63  }
0x28: {  	s18 =	rddreg [dreg:$0xb];
	s19 =	simm.s32 $0x700  }
0x29: {  	[tilespmem:s19], [sflag:$0x1] =	stream.linear.gather [hbm4b:s18+s2], $0x80, $0x38;
	[tilespmem:$0x1300] =	vst v63  }
0x2a: {  	s20 =	rddreg [dreg:$0xc];
	s21 =	simm.s32 $0x800  }
0x2b: {  	[tilespmem:s21], [sflag:$0x1] =	stream.linear.gather [hbm4b:s20+s2], $0x80, $0x38;
	[tilespmem:$0x1300] =	vst v63  }
0x2c: {  	s18 =	rddreg [dreg:$0xd];
	s19 =	simm.s32 $0x900  }
0x2d: {  	[tilespmem:s19], [sflag:$0x1] =	stream.linear.gather [hbm4b:s18+s2], $0x80, $0x38;
	[tilespmem:$0x1300] =	vst v63  }
0x2e: {  	s20 =	rddreg [dreg:$0xe];
	s21 =	simm.s32 $0xA00  }
0x2f: {  	[tilespmem:s21], [sflag:$0x1] =	stream.linear.gather [hbm4b:s20+s2], $0x80, $0x38;
	[tilespmem:$0x1300] =	vst v63  }
0x30: {  	s18 =	rddreg [dreg:$0xf];
	s19 =	simm.s32 $0xB00  }
0x31: {  	[tilespmem:s19], [sflag:$0x1] =	stream.linear.gather [hbm4b:s18+s2], $0x80, $0x38;
	[tilespmem:$0x1300] =	vst v63  }
0x32: {  	s20 =	rddreg [dreg:$0x10];
	s21 =	simm.s32 $0xC00  }
0x33: {  	[tilespmem:s21], [sflag:$0x1] =	stream.linear.gather [hbm4b:s20+s2], $0x80, $0x38;
	[tilespmem:$0x1300] =	vst v63  }
0x34: {  	s17 =	rddreg [dreg:$0x11];
	s18 =	simm.s32 $0xD00  }
0x35: {  	[tilespmem:s18], [sflag:$0x1] =	stream.linear.gather [hbm4b:s17+s2], $0x80, $0x38;
	[tilespmem:$0x1300] =	vst v63  }
0x36: {  	s19 =	rddreg [dreg:$0x12];
	s20 =	simm.s32 $0xE00  }
0x37: {  	[tilespmem:s20], [sflag:$0x1] =	stream.linear.gather [hbm4b:s19+s2], $0x80, $0x38;
	[tilespmem:$0x1300] =	vst v63  }
0x38: {  	s16 =	simm.s32 $0x0;
	s21 =	simm.s32 $0xF00  }
0x39: {  	v5 =	vimm.f32 $0.0e+00;
	[tilespmem:s21], [sflag:$0x1] =	stream.linear.gather [hbm4b:s22+s2], $0x80, $0x38;
	[tilespmem:$0x1300] =	vst v63  }
.LBB2_2:
0x3a: {  	s17 =	sshll.u32 s16, $0x1  }
0x3b: {  	s19 =	sshll.u32 s16, $0x5;
	s18 =	sadd.s32 s3, s17  }
0x3c: {  	s19 =	sand.u32 $0x60, s19;
	s20 =	sshll.u32 s18, $0x8  }
0x3d: {  	s19 =	sadd.s32 s19, s4;
	s20 =	sand.u32 $0xFFFF800, s20  }
0x3e: {  	s19 =	sadd.s32 s20, s19  }
0x3f: {  	s20 =	sadd.s32 $0x10, s19  }
0x40: {  	[tilespmem:s29], [sflag:$0x2] =	stream.linear.gather [hbm4b:s20+s2], $0x80, $0x38;
	[tilespmem:$0x1300] =	vst v63  }
0x41: {  	s21 =	sadd.s32 $0x90, s19  }
0x42: {  	[tilespmem:s30], [sflag:$0x2] =	stream.linear.gather [hbm4b:s21+s2], $0x80, $0x38;
	[tilespmem:$0x1300] =	vst v63  }
0x43: {  	s21 =	sadd.s32 $0x110, s19  }
0x44: {  	[tilespmem:s31], [sflag:$0x2] =	stream.linear.gather [hbm4b:s21+s2], $0x80, $0x38;
	[tilespmem:$0x1300] =	vst v63  }
0x45: {  	s21 =	sadd.s32 $0x190, s19  }
0x46: {  	[tilespmem:s1], [sflag:$0x2] =	stream.linear.gather [hbm4b:s21+s2], $0x80, $0x38;
	[tilespmem:$0x1300] =	vst v63  }
0x47: {  	s21 =	sadd.s32 $0x210, s19  }
0x48: {  	[tilespmem:s0], [sflag:$0x2] =	stream.linear.gather [hbm4b:s21+s2], $0x80, $0x38;
	[tilespmem:$0x1300] =	vst v63  }
0x49: {  	s21 =	sadd.s32 $0x290, s19  }
0x4a: {  	[tilespmem:s23], [sflag:$0x2] =	stream.linear.gather [hbm4b:s21+s2], $0x80, $0x38;
	[tilespmem:$0x1300] =	vst v63  }
0x4b: {  	s21 =	sadd.s32 $0x310, s19  }
0x4c: {  	[tilespmem:s24], [sflag:$0x2] =	stream.linear.gather [hbm4b:s21+s2], $0x80, $0x38;
	[tilespmem:$0x1300] =	vst v63  }
0x4d: {  	s21 =	sadd.s32 $0x390, s19  }
0x4e: {  	[tilespmem:s25], [sflag:$0x2] =	stream.linear.gather [hbm4b:s21+s2], $0x80, $0x38;
	[tilespmem:$0x1300] =	vst v63  }
0x4f: {  	s21 =	sadd.s32 $0x410, s19  }
0x50: {  	[tilespmem:s26], [sflag:$0x2] =	stream.linear.gather [hbm4b:s21+s2], $0x80, $0x38;
	[tilespmem:$0x1300] =	vst v63  }
0x51: {  	s21 =	sadd.s32 $0x490, s19  }
0x52: {  	[tilespmem:s28], [sflag:$0x2] =	stream.linear.gather [hbm4b:s21+s2], $0x80, $0x38;
	[tilespmem:$0x1300] =	vst v63  }
0x53: {  	s21 =	sadd.s32 $0x510, s19  }
0x54: {  	[tilespmem:s6], [sflag:$0x2] =	stream.linear.gather [hbm4b:s21+s2], $0x80, $0x38;
	[tilespmem:$0x1300] =	vst v63  }
0x55: {  	s21 =	sadd.s32 $0x590, s19  }
0x56: {  	[tilespmem:s7], [sflag:$0x2] =	stream.linear.gather [hbm4b:s21+s2], $0x80, $0x38;
	[tilespmem:$0x1300] =	vst v63  }
0x57: {  	s21 =	sadd.s32 $0x610, s19  }
0x58: {  	[tilespmem:s8], [sflag:$0x2] =	stream.linear.gather [hbm4b:s21+s2], $0x80, $0x38;
	[tilespmem:$0x1300] =	vst v63  }
0x59: {  	s21 =	sadd.s32 $0x690, s19  }
0x5a: {  	[tilespmem:s9], [sflag:$0x2] =	stream.linear.gather [hbm4b:s21+s2], $0x80, $0x38;
	[tilespmem:$0x1300] =	vst v63  }
0x5b: {  	s21 =	sadd.s32 $0x710, s19  }
0x5c: {  	[tilespmem:s10], [sflag:$0x2] =	stream.linear.gather [hbm4b:s21+s2], $0x80, $0x38;
	[tilespmem:$0x1300] =	vst v63  }
0x5d: {  	s19 =	sadd.s32 $0x790, s19  }
0x5e: {  	[tilespmem:s11], [sflag:$0x2] =	stream.linear.gather [hbm4b:s19+s2], $0x80, $0x38;
	[tilespmem:$0x1300] =	vst v63  }
0x5f: {  	_ =	swait.ge [sflag:s12], $0x800  }
0x60: {  	[sflag:s12] =	ssyncset.done $0x0  }
0x61: {  	s21 =	simm.s32 $0x40;
	[sflag:s12] =	ssyncadd.s32 $0xFFFFF800  }
0x62: {  	v7 =	vld [tilespmem:s21+$0xFFFFFFC0]  }
0x63: {  	v8 =	vld [tilespmem:s21+$0xFFFFFFD0]  }
0x64: {  	v9 =	vld [tilespmem:s21+$0xFFFFFFE0]  }
0x65: {  	v10 =	vld [tilespmem:s21+$0xFFFFFFF0]  }
0x66: {  	v11 =	vimm.f32 $-Inf;
	v6 =	vld [tilespmem:s21+$0x0]  }
0x67: {  	v11 =	vmax.f32 v11, v7;
	v7 =	vld [tilespmem:s21+$0x10]  }
0x68: {  	v11 =	vmax.f32 v11, v8;
	v8 =	vld [tilespmem:s21+$0x20]  }
0x69: {  	s20 =	simm.s32 $0x140;
	s19 =	simm.s32 $0x0;
	v11 =	vmax.f32 v11, v9;
	v9 =	vld [tilespmem:s21+$0x30]  }
.LBB2_3:
0x6a: {  	v12 =	vld [tilespmem:s20+$0xFFFFFFC0];
	s19 =	sadd.s32 $0x8, s19;
	v10 =	vmax.f32 v11, v10  }
0x6b: {  	v11 =	vld [tilespmem:s20+$0xFFFFFFD0];
	p0 =	slt.u32 s19, $0x78;
	v6 =	vmax.f32 v10, v6  }
0x6c: {  	v13 =	vld [tilespmem:s20+$0xFFFFFFE0];
	v6 =	vmax.f32 v6, v7  }
.Ltmp0:
0x6d: {  	v10 =	vld [tilespmem:s20+$0xFFFFFFF0];
	v7 =	vmax.f32 v6, v8;
	(pc) =	sbr.rel @p0 .LBB2_3-.Ltmp0, $4  }
0x6e: {  	v6 =	vld [tilespmem:s20+$0x0];
	v7 =	vmax.f32 v7, v9  }
0x6f: {  	v8 =	vmax.f32 v7, v12;
	v7 =	vld [tilespmem:s20+$0x10]  }
0x70: {  	v9 =	vmax.f32 v8, v11;
	v8 =	vld [tilespmem:s20+$0x20]  }
0x71: {  	v11 =	vmax.f32 v9, v13;
	v9 =	vld [tilespmem:s20+$0x30];
	s20 =	sadd.s32 $0x100, s20  }
0x72: {  	p0 =	seq.s32 s16, $0x17F  }
0x73: {  	s18 =	sadd.s32 @!p0 $0x2, s18  }
0x74: {  	s19 =	sshll.u32 @!p0 s18, $0x4  }
0x75: {  	s18 =	sshll.u32 @!p0 s18, $0x8;
	s19 =	sand.u32 @!p0 $0x60, s19  }
0x76: {  	s18 =	sand.u32 @!p0 $0xFFFF800, s18;
	s19 =	sadd.s32 @!p0 s4, s19  }
0x77: {  	s18 =	sadd.s32 @!p0 s18, s19;
	s19 =	simm.s32 @!p0 $0x0  }
0x78: {  	[tilespmem:s19], [sflag:$0x1] =	stream.linear.gather @!p0 [hbm4b:s18+s19], $0x80, $0x38;
	[tilespmem:$0x1300] =	vst v63  }
0x79: {  	s21 =	simm.s32 @!p0 $0x100;
	s20 =	sadd.s32 @!p0 $0x80, s18  }
0x7a: {  	[tilespmem:s21], [sflag:$0x1] =	stream.linear.gather @!p0 [hbm4b:s20+s19], $0x80, $0x38;
	[tilespmem:$0x1300] =	vst v63  }
0x7b: {  	s20 =	sadd.s32 @!p0 $0x100, s18;
	s21 =	simm.s32 @!p0 $0x200  }
0x7c: {  	[tilespmem:s21], [sflag:$0x1] =	stream.linear.gather @!p0 [hbm4b:s20+s19], $0x80, $0x38;
	[tilespmem:$0x1300] =	vst v63  }
0x7d: {  	s20 =	sadd.s32 @!p0 $0x180, s18;
	s21 =	simm.s32 @!p0 $0x300  }
0x7e: {  	[tilespmem:s21], [sflag:$0x1] =	stream.linear.gather @!p0 [hbm4b:s20+s19], $0x80, $0x38;
	[tilespmem:$0x1300] =	vst v63  }
0x7f: {  	s20 =	sadd.s32 @!p0 $0x200, s18;
	s21 =	simm.s32 @!p0 $0x400  }
0x80: {  	[tilespmem:s21], [sflag:$0x1] =	stream.linear.gather @!p0 [hbm4b:s20+s19], $0x80, $0x38;
	[tilespmem:$0x1300] =	vst v63  }
0x81: {  	s20 =	sadd.s32 @!p0 $0x280, s18;
	s21 =	simm.s32 @!p0 $0x500  }
0x82: {  	[tilespmem:s21], [sflag:$0x1] =	stream.linear.gather @!p0 [hbm4b:s20+s19], $0x80, $0x38;
	[tilespmem:$0x1300] =	vst v63  }
0x83: {  	s20 =	sadd.s32 @!p0 $0x300, s18;
	s21 =	simm.s32 @!p0 $0x600  }
0x84: {  	[tilespmem:s21], [sflag:$0x1] =	stream.linear.gather @!p0 [hbm4b:s20+s19], $0x80, $0x38;
	[tilespmem:$0x1300] =	vst v63  }
0x85: {  	s20 =	sadd.s32 @!p0 $0x380, s18;
	s21 =	simm.s32 @!p0 $0x700  }
0x86: {  	[tilespmem:s21], [sflag:$0x1] =	stream.linear.gather @!p0 [hbm4b:s20+s19], $0x80, $0x38;
	[tilespmem:$0x1300] =	vst v63  }
0x87: {  	s20 =	sadd.s32 @!p0 $0x400, s18;
	s21 =	simm.s32 @!p0 $0x800  }
0x88: {  	[tilespmem:s21], [sflag:$0x1] =	stream.linear.gather @!p0 [hbm4b:s20+s19], $0x80, $0x38;
	[tilespmem:$0x1300] =	vst v63  }
0x89: {  	s20 =	sadd.s32 @!p0 $0x480, s18;
	s21 =	simm.s32 @!p0 $0x900  }
0x8a: {  	[tilespmem:s21], [sflag:$0x1] =	stream.linear.gather @!p0 [hbm4b:s20+s19], $0x80, $0x38;
	[tilespmem:$0x1300] =	vst v63  }
0x8b: {  	s20 =	sadd.s32 @!p0 $0x500, s18;
	s21 =	simm.s32 @!p0 $0xA00  }
0x8c: {  	[tilespmem:s21], [sflag:$0x1] =	stream.linear.gather @!p0 [hbm4b:s20+s19], $0x80, $0x38;
	[tilespmem:$0x1300] =	vst v63  }
0x8d: {  	s20 =	sadd.s32 @!p0 $0x580, s18;
	s21 =	simm.s32 @!p0 $0xB00  }
0x8e: {  	[tilespmem:s21], [sflag:$0x1] =	stream.linear.gather @!p0 [hbm4b:s20+s19], $0x80, $0x38;
	[tilespmem:$0x1300] =	vst v63  }
0x8f: {  	s20 =	sadd.s32 @!p0 $0x600, s18;
	s21 =	simm.s32 @!p0 $0xC00  }
0x90: {  	v10 =	vmax.f32 v11, v10;
	[tilespmem:s21], [sflag:$0x1] =	stream.linear.gather @!p0 [hbm4b:s20+s19], $0x80, $0x38;
	[tilespmem:$0x1300] =	vst v63  }
0x91: {  	v6 =	vmax.f32 v10, v6;
	s20 =	sadd.s32 @!p0 $0x680, s18;
	s21 =	simm.s32 @!p0 $0xD00  }
0x92: {  	v6 =	vmax.f32 v6, v7;
	[tilespmem:s21], [sflag:$0x1] =	stream.linear.gather @!p0 [hbm4b:s20+s19], $0x80, $0x38;
	[tilespmem:$0x1300] =	vst v63  }
0x93: {  	v6 =	vmax.f32 v6, v8;
	s20 =	sadd.s32 @!p0 $0x700, s18;
	s21 =	simm.s32 @!p0 $0xE00  }
0x94: {  	v6 =	vmax.f32 v6, v9;
	[tilespmem:s21], [sflag:$0x1] =	stream.linear.gather @!p0 [hbm4b:s20+s19], $0x80, $0x38;
	[tilespmem:$0x1300] =	vst v63  }
0x95: {  	v7 =	vperm.xlane v6, v0;
	s18 =	sadd.s32 @!p0 $0x780, s18;
	s20 =	simm.s32 @!p0 $0xF00  }
0x96: {  	[tilespmem:s20], [sflag:$0x1] =	stream.linear.gather @!p0 [hbm4b:s18+s19], $0x80, $0x38;
	[tilespmem:$0x1300] =	vst v63  }
0x97: {  	v6 =	vmax.f32 v6, v7;
	_ =	swait.ge [sflag:s13], $0x800  }
0x98: {  	v7 =	vperm.xlane v6, v1;
	[sflag:s13] =	ssyncset.done $0x0  }
0x99: {  	s21 =	simm.s32 $0xF0;
	[sflag:s13] =	ssyncadd.s32 $0xFFFFF800  }
0x9a: {  	v6 =	vmax.f32 v6, v7;
	v8 =	vld [tilespmem:s21+$0xFFFFFF90]  }
0x9b: {  	v7 =	vperm.xlane v6, v2;
	v9 =	vld [tilespmem:s21+$0xFFFFFFA0]  }
0x9c: {  	v10 =	vld [tilespmem:s21+$0xFFFFFFB0]  }
0x9d: {  	v11 =	vmax.f32 v6, v7;
	v6 =	vld [tilespmem:s21+$0xFFFFFFC0]  }
0x9e: {  	s17 =	sand.u32 $0xE, s17;
	v13 =	vimm.f32 $-Inf;
	v12 =	vperm.xlane v11, v4;
	v7 =	vld [tilespmem:s21+$0xFFFFFFD0]  }
0x9f: {  	v14 =	vmov s17;
	v13 =	vmax.f32 v13, v8;
	v8 =	vld [tilespmem:s21+$0xFFFFFFE0]  }
0xa0: {  	vm0 =	veq.s32 v14, v3;
	v11 =	vmax.f32 v11, v12;
	v63 =	vmax.f32 v13, v9;
	v9 =	vld [tilespmem:s21+$0xFFFFFFF0]  }
0xa1: {  	v5 =	vsel vm0, v11, v5;
	s18 =	simm.s32 $0x0;
	s19 =	simm.s32 $0x1F0;
	v11 =	vmax.f32 v63, v10;
	v10 =	vld [tilespmem:s21+$0x0]  }
.LBB2_5:
0xa2: {  	v12 =	vld [tilespmem:s19+$0xFFFFFF90];
	s18 =	sadd.s32 $0x8, s18;
	v6 =	vmax.f32 v11, v6  }
0xa3: {  	v11 =	vld [tilespmem:s19+$0xFFFFFFA0];
	p0 =	slt.u32 s18, $0x78;
	v6 =	vmax.f32 v6, v7  }
0xa4: {  	v13 =	vld [tilespmem:s19+$0xFFFFFFB0];
	v7 =	vmax.f32 v6, v8  }
.Ltmp1:
0xa5: {  	v6 =	vld [tilespmem:s19+$0xFFFFFFC0];
	v8 =	vmax.f32 v7, v9;
	(pc) =	sbr.rel @p0 .LBB2_5-.Ltmp1, $4  }
0xa6: {  	v7 =	vld [tilespmem:s19+$0xFFFFFFD0];
	v8 =	vmax.f32 v8, v10  }
0xa7: {  	v9 =	vmax.f32 v8, v12;
	v8 =	vld [tilespmem:s19+$0xFFFFFFE0]  }
0xa8: {  	v10 =	vmax.f32 v9, v11;
	v9 =	vld [tilespmem:s19+$0xFFFFFFF0]  }
0xa9: {  	v11 =	vmax.f32 v10, v13;
	v10 =	vld [tilespmem:s19+$0x0];
	s19 =	sadd.s32 $0x100, s19  }
0xaa: {  	v6 =	vmax.f32 v11, v6  }
0xab: {  	v6 =	vmax.f32 v6, v7  }
0xac: {  	v6 =	vmax.f32 v6, v8  }
0xad: {  	v6 =	vmax.f32 v6, v9  }
0xae: {  	v6 =	vmax.f32 v6, v10  }
0xaf: {  	v7 =	vperm.xlane v6, v0;
	_ =	sdelay $0x1  }
0xb0: {  	v6 =	vmax.f32 v6, v7  }
0xb1: {  	v7 =	vperm.xlane v6, v1;
	_ =	sdelay $0x1  }
0xb2: {  	s18 =	sand.u32 $0x7, s16;
	v6 =	vmax.f32 v6, v7  }
0xb3: {  	s17 =	sor.u32 $0x1, s17;
	p0 =	sne.s32 s18, $0x7;
	v7 =	vperm.xlane v6, v2  }
0xb4: {  	v63 =	vmov s17;
	s17 =	sshll.u32 @!p0 s16, $0x1;
	s16 =	sadd.s32 $0x1, s16  }
0xb5: {  	p1 =	sne.s32 s16, $0x180;
	v6 =	vmax.f32 v6, v7  }
.Ltmp2:
0xb6: {  	v7 =	vperm.xlane v6, v4;
	(pc) =	sbr.rel @p1 .LBB2_2-.Ltmp2, $4  }
0xb7: {  	_ = 	snop  }
0xb8: {  	vm0 =	veq.s32 v63, v3;
	v6 =	vmax.f32 v6, v7  }
0xb9: {  	s17 =	sand.u32 @!p0 $0x3F0, s17;
	v5 =	vsel vm0, v6, v5  }
0xba: {  	[tilespmem:s17+$0x1000] =	vst @!p0 v5  }
0xbb: {  	s16 =	rddreg [dreg:$0x3];
	s17 =	simm.s32 $0x1000  }
0xbc: {  	[hbm4b:s16+s2] =	stream.linear.scatter [tilespmem:s17], [sflag:$0x3], $0x300, $0x38;
	[tilespmem:$0x1300] =	vst v63  }
0xbd: {  	_ =	swait.ge [sflag:s14], $0x300  }
0xbe: {  	s15 =	sadd.s32 $0x1, s15;
	s21 =	rddreg [dreg:$0x4]  }
0xbf: {  	p0 =	sne.s32 s15, s21  }
.Ltmp3:
0xc0: {  	_ = 	snop;
	(pc) =	sbr.rel @p0 .LBB2_1-.Ltmp3, $3  }
0xc1: {  	_ =	sdelay $0x1  }
0xc2: {  	[sflag:s14] =	ssyncset.done $0x0  }
0xc3: {  	[sflag:s14] =	ssyncadd.s32 $0xFFFFFD00  }
0xc4: {  	_ =	sfence.sel $0x180000  }
0xc5: {  	[bflag:$0x0] =	sbarrier.arrive $0xFFFF  }
0xc6: {  	_ =	strace $0x90000047  }
0xc7: {  	s0 =	stileid.u32;
	[bflag:$0x2] =	sbarrier.arrive $0xFFFF  }
0xc8: {  	p0 =	sne.s32 s0, $0x0;
	s0 =	rddreg [dreg:$0x2]  }
0xc9: {  	s0 =	sadd.s32 @!p0 $0x100000, s0  }
0xca: {  	[sflag:s0] =	ssyncadd.tile.s32 @!p0 $0x1;
	_ =	shalt  }
.Lfunc_end2:
_tile_overlayer_lowered:
.L_overlay_start_2:
0xcb: {  	(tag) =	ssettag $0x2  }
0xcc: {  	s0 =	rddreg [dreg:$0x0];
	s2 =	stileid.u32  }
0xcd: {  	s1 =	rddreg [dreg:$0x1];
	p0 =	sne.s32 s2, $0x0  }
0xce: {  	s3 =	rddreg [dreg:$0x2];
	[bflag:$0x3] =	sbarrier.arrive $0xFFFF;
	s2 =	simm.s32 @!p0 $0x1C03  }
0xcf: {  	[timem:s3], [sflag:s2] =	dma.local @!p0 [hbm:s0], s1  }
0xd0: {  	s0 =	simm.s32 @!p0 $0x3  }
0xd1: {  	_ =	swait.ge @!p0 [sflag:s0], s1  }
0xd2: {  	s1 =	ssub.s32 @!p0 $0x0, s1;
	[sflag:s0] =	ssyncset.done @!p0 $0x0  }
0xd3: {  	[sflag:s0] =	ssyncadd.s32 @!p0 s1  }
0xd4: {  	[bflag:$0x3] =	sbarrier.arrive $0xFFFF  }
0xd5: {  	_ =	shalt  }

</sc_bundles>
